<compile_context>
chip_gen: v7x
topology: tpu7x:2x2x1
jax: 0.10.2.dev20260603
libtpu: 0.0.44.dev20260713+nightly
codegen_flags: <defaults>
</compile_context>

<pallas_src>
import functools

import jax
import jax.numpy as jnp
from jax import lax
from jax.experimental import pallas as pl
from jax.experimental.pallas import tpu as pltpu
from jax.experimental.pallas import tpu_sc as plsc

B = 16384
NUM_TABLES = 100000
META_IN, META_OUT = 16, 32
EMB_IN, EMB_OUT = 128, 64
FINAL_IN = META_OUT + EMB_OUT
SIZE = 64

NC, NS = 2, 16
NW = NC * NS
BPW = B // NW
CHUNK = 128
NCHUNK = BPW // CHUNK

@functools.cache
def _make_sc_gathers():
    mesh = plsc.VectorSubcoreMesh(core_axis_name="c", subcore_axis_name="s")

    @functools.partial(
        pl.kernel,
        out_type=(
            jax.ShapeDtypeStruct((B, EMB_IN), jnp.float32),
            jax.ShapeDtypeStruct((META_IN, B), jnp.float32),
        ),
        mesh=mesh,
        scratch_types=[
            pltpu.VMEM((BPW,), jnp.int32),
            pltpu.VMEM((META_IN, BPW), jnp.float32),
            pltpu.VMEM((BPW, EMB_IN), jnp.float32),
            [pltpu.SemaphoreType.DMA] * NCHUNK,
            pltpu.SemaphoreType.DMA,
            pltpu.SemaphoreType.DMA,
        ],
        compiler_params=pltpu.CompilerParams(
            use_tc_tiling_on_sc=False, needs_layout_passes=False),
    )
    def _gather(idx_hbm, etab_hbm, mt_hbm, emb_out, meta_out,
                idx_v, gbuf, erows_v, esems, msem, wsem):
        wid = lax.axis_index("s") * NC + lax.axis_index("c")
        base = wid * BPW
        pltpu.sync_copy(idx_hbm.at[wid], idx_v)
        ecopies = []
        for j in range(NCHUNK):
            ecopies.append(pltpu.async_copy(
                etab_hbm.at[idx_v.at[pl.ds(j * CHUNK, CHUNK)]],
                erows_v.at[pl.ds(j * CHUNK, CHUNK)], esems[j]))
        mcopies = []
        for f in range(META_IN):
            mcopies.append(pltpu.async_copy(
                mt_hbm.at[f].at[idx_v], gbuf.at[f], msem))
        wcopies = []
        for j in range(NCHUNK):
            ecopies[j].wait()
            wcopies.append(pltpu.async_copy(
                erows_v.at[pl.ds(j * CHUNK, CHUNK)],
                emb_out.at[pl.ds(base + j * CHUNK, CHUNK)], wsem))
        for f in range(META_IN):
            mcopies[f].wait()
            wcopies.append(pltpu.async_copy(
                gbuf.at[f], meta_out.at[f, pl.ds(base, BPW)], wsem))
        for w in wcopies:
            w.wait()

    return _gather


def _gelu(x):
    return 0.5 * x * (1.0 + lax.erf(x * 0.7071067811865476))


def _head_body(mfT_ref, ef_ref, wmT_ref, bm_ref, weT_ref, be_ref,
               g_ref, bln_ref, wfT_ref, bf_ref, o_ref):
    mfT = mfT_ref[...]
    ef = ef_ref[...]
    metaT = _gelu(jnp.dot(wmT_ref[...], mfT,
                          preferred_element_type=jnp.float32)
                  + bm_ref[...])
    embT = (lax.dot_general(weT_ref[...], ef, (((1,), (1,)), ((), ())),
                            preferred_element_type=jnp.float32)
            + be_ref[...])
    s = jnp.sum(metaT, axis=0, keepdims=True) + jnp.sum(embT, axis=0,
                                                        keepdims=True)
    ss = (jnp.sum(metaT * metaT, axis=0, keepdims=True)
          + jnp.sum(embT * embT, axis=0, keepdims=True))
    mu = s * (1.0 / FINAL_IN)
    var = ss * (1.0 / FINAL_IN) - mu * mu
    inv = lax.rsqrt(var + 1e-5)
    g = g_ref[...]
    bln = bln_ref[...]
    meta_n = (metaT - mu) * inv * g[:META_OUT, :] + bln[:META_OUT, :]
    emb_n = (embT - mu) * inv * g[META_OUT:, :] + bln[META_OUT:, :]
    h = jnp.concatenate([meta_n, emb_n], axis=0)
    out = (jnp.dot(wfT_ref[...], h, preferred_element_type=jnp.float32)
           + bf_ref[...])
    o_ref[...] = _gelu(out)


BM = 8192


def _head(meta_featT, emb_feat, W_meta, b_meta, W_embed, b_embed,
          ln_g, ln_b, W_final, b_final):
    full = lambda shape: pl.BlockSpec(shape, lambda i: (0,) * len(shape))
    outT = pl.pallas_call(
        _head_body,
        grid=(B // BM,),
        in_specs=[
            pl.BlockSpec((META_IN, BM), lambda i: (0, i)),
            pl.BlockSpec((BM, EMB_IN), lambda i: (i, 0)),
            full((META_OUT, META_IN)),
            full((META_OUT, 1)),
            full((EMB_OUT, EMB_IN)),
            full((EMB_OUT, 1)),
            full((FINAL_IN, 1)),
            full((FINAL_IN, 1)),
            full((SIZE, FINAL_IN)),
            full((SIZE, 1)),
        ],
        out_specs=pl.BlockSpec((SIZE, BM), lambda i: (0, i)),
        out_shape=jax.ShapeDtypeStruct((SIZE, B), jnp.float32),
        compiler_params=pltpu.CompilerParams(
            dimension_semantics=("arbitrary",)),
    )(meta_featT, emb_feat, W_meta.T, b_meta.reshape(-1, 1), W_embed.T,
      b_embed.reshape(-1, 1), ln_g.reshape(-1, 1), ln_b.reshape(-1, 1),
      W_final.T, b_final.reshape(-1, 1))
    return outT.T


def kernel(table_idx, meta_table, embed_table, W_meta, b_meta,
           W_embed, b_embed, ln_g, ln_b, W_final, b_final):
    idx = table_idx.astype(jnp.int32).reshape(NW, BPW)
    emb_feat, meta_feat = _make_sc_gathers()(idx, embed_table, meta_table.T)
    return _head(meta_feat, emb_feat, W_meta, b_meta, W_embed,
                 b_embed, ln_g, ln_b, W_final, b_final)

# --- scband reference (transcript-rebuilt; emitter-appended) ---
"""Pipeline reference for scband-table-15049565405650 (READ-ONLY COPY).

The authoritative reference and input builder live on the scoring server;
editing this copy changes nothing except your own understanding.
"""

import jax, jax.numpy as jnp
import numpy as np

NUM_TABLES = 100000
B = 16384
META_IN, META_OUT = 16, 32
EMB_IN, EMB_OUT = 128, 64
FINAL_IN = META_OUT + EMB_OUT
SIZE = 64


def _layernorm(x, g, b, eps=1e-5):
    mu = jnp.mean(x, axis=-1, keepdims=True)
    var = jnp.var(x, axis=-1, keepdims=True)
    return (x - mu) / jnp.sqrt(var + eps) * g + b


def setup_inputs(seed: int = 0) -> dict:
    key = jax.random.key(seed)
    ks = jax.random.split(key, 12)
    inp = {}
    inp['table_idx'] = jax.random.randint(ks[0], (B, 1), 0, NUM_TABLES, dtype=jnp.int32)
    # table_feature lookup tables (fixed feature tensors, gathered by table_idx)
    inp['meta_table'] = jax.random.normal(ks[1], (NUM_TABLES, META_IN), dtype=jnp.float32)
    inp['embed_table'] = jax.random.normal(ks[2], (NUM_TABLES, EMB_IN), dtype=jnp.float32)
    # feature_modules['tableMeta'] = Linear(16,32) + GELU
    inp['W_meta'] = jax.random.normal(ks[3], (META_IN, META_OUT), dtype=jnp.float32) / np.sqrt(META_IN)
    inp['b_meta'] = jnp.zeros((META_OUT,), dtype=jnp.float32)
    # feature_modules['tableEmbed'] = Linear(128,64)
    inp['W_embed'] = jax.random.normal(ks[4], (EMB_IN, EMB_OUT), dtype=jnp.float32) / np.sqrt(EMB_IN)
    inp['b_embed'] = jnp.zeros((EMB_OUT,), dtype=jnp.float32)
    # final_linear = LayerNorm(96) + Linear(96,64) + GELU
    inp['ln_g'] = jnp.ones((FINAL_IN,), dtype=jnp.float32)
    inp['ln_b'] = jnp.zeros((FINAL_IN,), dtype=jnp.float32)
    inp['W_final'] = jax.random.normal(ks[5], (FINAL_IN, SIZE), dtype=jnp.float32) / np.sqrt(FINAL_IN)
    inp['b_final'] = jnp.zeros((SIZE,), dtype=jnp.float32)
    return inp


def reference(table_idx, meta_table, embed_table, W_meta, b_meta, W_embed, b_embed, ln_g, ln_b, W_final, b_final):
    idx = table_idx.astype(jnp.int32).squeeze(-1)
    # ModuleDict iteration order: tableMeta first, then tableEmbed
    meta_feat = jnp.take(meta_table, idx, axis=0)
    meta = jax.nn.gelu(meta_feat @ W_meta + b_meta, approximate=False)
    emb_feat = jnp.take(embed_table, idx, axis=0)
    emb = emb_feat @ W_embed + b_embed
    combined = jnp.concatenate([meta, emb], axis=-1)
    h = _layernorm(combined, ln_g, ln_b)
    out = jax.nn.gelu(h @ W_final + b_final, approximate=False)
    # .squeeze(-2) is a no-op for 2-D [B, SIZE] output with B > 1
    return out

if __name__ == "__main__":
    import jax
    _d = setup_inputs()
    print(jax.jit(kernel)(*tuple(_d.values())))

</pallas_src>

<mosaic_0001>
#map = affine_map<(d0, d1) -> (0, 0)>
module attributes {stable_mosaic.version = 14 : i64} {
  func.func @_gather(%arg0: i32, %arg1: i32, %arg2: memref<32x512xi32, #tpu.memory_space<hbm>>, %arg3: memref<100000x128xf32, #tpu.memory_space<hbm>>, %arg4: memref<16x100000xf32, #tpu.memory_space<hbm>>, %arg5: memref<16384x128xf32, #tpu.memory_space<hbm>>, %arg6: memref<16x16384xf32, #tpu.memory_space<hbm>>, %arg7: memref<512xi32, #tpu.memory_space<vmem>>, %arg8: memref<16x512xf32, #tpu.memory_space<vmem>>, %arg9: memref<512x128xf32, #tpu.memory_space<vmem>>, %arg10: memref<!tpu.dma_semaphore, #tpu.memory_space<semaphore_mem>>, %arg11: memref<!tpu.dma_semaphore, #tpu.memory_space<semaphore_mem>>, %arg12: memref<!tpu.dma_semaphore, #tpu.memory_space<semaphore_mem>>, %arg13: memref<!tpu.dma_semaphore, #tpu.memory_space<semaphore_mem>>, %arg14: memref<!tpu.dma_semaphore, #tpu.memory_space<semaphore_mem>>, %arg15: memref<!tpu.dma_semaphore, #tpu.memory_space<semaphore_mem>>) attributes {dimension_semantics = [#tpu.dimension_semantics<core_parallel>, #tpu.dimension_semantics<subcore_parallel>], iteration_bounds = array<i64: 2, 16>, scalar_prefetch = 0 : i64, scratch_operands = 9 : i64, tpu.core_type = #tpu.core_type<sc_vector_subcore>, window_params = [{transform_indices = #map}, {transform_indices = #map}, {transform_indices = #map}, {transform_indices = #map}, {transform_indices = #map}]} {
    %mul3A = arith.constant 2 : i32
    %mul3A_0 = arith.muli %arg1, %mul3A : i32
    %add3A = arith.addi %mul3A_0, %arg0 : i32
    %mul3A_1 = arith.constant 512 : i32
    %mul3A_2 = arith.muli %add3A, %mul3A_1 : i32
    "tpu.region"() ({
      %run_scoped3A = tpu.sem_alloc : memref<!tpu.dma_semaphore, #tpu.memory_space<semaphore_mem>>
      %dma_start3A_857 = arith.constant 0 : i32
      %dma_start3A_858 = tpu.memref_slice %arg2[%add3A, %dma_start3A_857] : memref<32x512xi32, #tpu.memory_space<hbm>> -> memref<1x512xi32, #tpu.memory_space<hbm>>
      %dma_start3A_859 = tpu.memref_squeeze %dma_start3A_858 : memref<1x512xi32, #tpu.memory_space<hbm>> -> memref<512xi32, #tpu.memory_space<hbm>>
      %dma_start3A_860 = arith.constant 0 : i32
      %dma_start3A_861 = tpu.memref_slice %arg2[%add3A, %dma_start3A_860] : memref<32x512xi32, #tpu.memory_space<hbm>> -> memref<1x512xi32, #tpu.memory_space<hbm>>
      %dma_start3A_862 = tpu.memref_squeeze %dma_start3A_861 : memref<1x512xi32, #tpu.memory_space<hbm>> -> memref<512xi32, #tpu.memory_space<hbm>>
      tpu.enqueue_dma source(%dma_start3A_862 : memref<512xi32, #tpu.memory_space<hbm>>) target(%arg7 : memref<512xi32, #tpu.memory_space<vmem>>) target_semaphore(%run_scoped3A : memref<!tpu.dma_semaphore, #tpu.memory_space<semaphore_mem>>)
      %dma_wait3A_863 = arith.constant 0 : i32
      %dma_wait3A_864 = tpu.memref_slice %arg2[%add3A, %dma_wait3A_863] : memref<32x512xi32, #tpu.memory_space<hbm>> -> memref<1x512xi32, #tpu.memory_space<hbm>>
      %dma_wait3A_865 = tpu.memref_squeeze %dma_wait3A_864 : memref<1x512xi32, #tpu.memory_space<hbm>> -> memref<512xi32, #tpu.memory_space<hbm>>
      %dma_wait3A_866 = arith.constant 0 : i32
      %dma_wait3A_867 = tpu.memref_slice %arg2[%add3A, %dma_wait3A_866] : memref<32x512xi32, #tpu.memory_space<hbm>> -> memref<1x512xi32, #tpu.memory_space<hbm>>
      %dma_wait3A_868 = tpu.memref_squeeze %dma_wait3A_867 : memref<1x512xi32, #tpu.memory_space<hbm>> -> memref<512xi32, #tpu.memory_space<hbm>>
      tpu.wait_dma2 semaphore(%run_scoped3A : memref<!tpu.dma_semaphore, #tpu.memory_space<semaphore_mem>>) src(%dma_wait3A_868 : memref<512xi32, #tpu.memory_space<hbm>>) dst(%arg7 : memref<512xi32, #tpu.memory_space<vmem>>)
      tpu.yield
    }) : () -> ()
    %dma_start3A = arith.constant 0 : i32
    %dma_start3A_3 = arith.constant 0 : i32
    %dma_start3A_4 = tpu.memref_slice %arg9[%dma_start3A, %dma_start3A_3] : memref<512x128xf32, #tpu.memory_space<vmem>> -> memref<128x128xf32, #tpu.memory_space<vmem>>
    %dma_start3A_5 = arith.constant 0 : i32
    %dma_start3A_6 = tpu.memref_slice %arg7[%dma_start3A_5] : memref<512xi32, #tpu.memory_space<vmem>> -> memref<128xi32, #tpu.memory_space<vmem>>
    %dma_start3A_7 = arith.constant 0 : i32
    %dma_start3A_8 = arith.constant 0 : i32
    %dma_start3A_9 = tpu.memref_slice %arg3[%dma_start3A_7, %dma_start3A_8] : memref<100000x128xf32, #tpu.memory_space<hbm>> -> memref<100000x128xf32, #tpu.memory_space<hbm>>
    tpu.enqueue_indirect_dma source(%dma_start3A_9 : memref<100000x128xf32, #tpu.memory_space<hbm>>) target(%dma_start3A_4 : memref<128x128xf32, #tpu.memory_space<vmem>>) offsets(%dma_start3A_6 : memref<128xi32, #tpu.memory_space<vmem>>) semaphore(%arg10 : memref<!tpu.dma_semaphore, #tpu.memory_space<semaphore_mem>>)
    %dma_start3A_10 = arith.constant 128 : i32
    %dma_start3A_11 = arith.constant 0 : i32
    %dma_start3A_12 = tpu.memref_slice %arg9[%dma_start3A_10, %dma_start3A_11] : memref<512x128xf32, #tpu.memory_space<vmem>> -> memref<128x128xf32, #tpu.memory_space<vmem>>
    %dma_start3A_13 = arith.constant 128 : i32
    %dma_start3A_14 = tpu.memref_slice %arg7[%dma_start3A_13] : memref<512xi32, #tpu.memory_space<vmem>> -> memref<128xi32, #tpu.memory_space<vmem>>
    %dma_start3A_15 = arith.constant 0 : i32
    %dma_start3A_16 = arith.constant 0 : i32
    %dma_start3A_17 = tpu.memref_slice %arg3[%dma_start3A_15, %dma_start3A_16] : memref<100000x128xf32, #tpu.memory_space<hbm>> -> memref<100000x128xf32, #tpu.memory_space<hbm>>
    tpu.enqueue_indirect_dma source(%dma_start3A_17 : memref<100000x128xf32, #tpu.memory_space<hbm>>) target(%dma_start3A_12 : memref<128x128xf32, #tpu.memory_space<vmem>>) offsets(%dma_start3A_14 : memref<128xi32, #tpu.memory_space<vmem>>) semaphore(%arg11 : memref<!tpu.dma_semaphore, #tpu.memory_space<semaphore_mem>>)
    %dma_start3A_18 = arith.constant 256 : i32
    %dma_start3A_19 = arith.constant 0 : i32
    %dma_start3A_20 = tpu.memref_slice %arg9[%dma_start3A_18, %dma_start3A_19] : memref<512x128xf32, #tpu.memory_space<vmem>> -> memref<128x128xf32, #tpu.memory_space<vmem>>
    %dma_start3A_21 = arith.constant 256 : i32
    %dma_start3A_22 = tpu.memref_slice %arg7[%dma_start3A_21] : memref<512xi32, #tpu.memory_space<vmem>> -> memref<128xi32, #tpu.memory_space<vmem>>
    %dma_start3A_23 = arith.constant 0 : i32
    %dma_start3A_24 = arith.constant 0 : i32
    %dma_start3A_25 = tpu.memref_slice %arg3[%dma_start3A_23, %dma_start3A_24] : memref<100000x128xf32, #tpu.memory_space<hbm>> -> memref<100000x128xf32, #tpu.memory_space<hbm>>
    tpu.enqueue_indirect_dma source(%dma_start3A_25 : memref<100000x128xf32, #tpu.memory_space<hbm>>) target(%dma_start3A_20 : memref<128x128xf32, #tpu.memory_space<vmem>>) offsets(%dma_start3A_22 : memref<128xi32, #tpu.memory_space<vmem>>) semaphore(%arg12 : memref<!tpu.dma_semaphore, #tpu.memory_space<semaphore_mem>>)
    %dma_start3A_26 = arith.constant 384 : i32
    %dma_start3A_27 = arith.constant 0 : i32
    %dma_start3A_28 = tpu.memref_slice %arg9[%dma_start3A_26, %dma_start3A_27] : memref<512x128xf32, #tpu.memory_space<vmem>> -> memref<128x128xf32, #tpu.memory_space<vmem>>
    %dma_start3A_29 = arith.constant 384 : i32
    %dma_start3A_30 = tpu.memref_slice %arg7[%dma_start3A_29] : memref<512xi32, #tpu.memory_space<vmem>> -> memref<128xi32, #tpu.memory_space<vmem>>
    %dma_start3A_31 = arith.constant 0 : i32
    %dma_start3A_32 = arith.constant 0 : i32
    %dma_start3A_33 = tpu.memref_slice %arg3[%dma_start3A_31, %dma_start3A_32] : memref<100000x128xf32, #tpu.memory_space<hbm>> -> memref<100000x128xf32, #tpu.memory_space<hbm>>
    tpu.enqueue_indirect_dma source(%dma_start3A_33 : memref<100000x128xf32, #tpu.memory_space<hbm>>) target(%dma_start3A_28 : memref<128x128xf32, #tpu.memory_space<vmem>>) offsets(%dma_start3A_30 : memref<128xi32, #tpu.memory_space<vmem>>) semaphore(%arg13 : memref<!tpu.dma_semaphore, #tpu.memory_space<semaphore_mem>>)
    %dma_start3A_34 = arith.constant 0 : i32
    %dma_start3A_35 = arith.constant 0 : i32
    %dma_start3A_36 = arith.constant 0 : i32
    %dma_start3A_37 = tpu.memref_slice %arg8[%dma_start3A_35, %dma_start3A_36] : memref<16x512xf32, #tpu.memory_space<vmem>> -> memref<1x512xf32, #tpu.memory_space<vmem>>
    %dma_start3A_38 = tpu.memref_squeeze %dma_start3A_37 : memref<1x512xf32, #tpu.memory_space<vmem>> -> memref<512xf32, #tpu.memory_space<vmem>>
    %dma_start3A_39 = arith.constant 0 : i32
    %dma_start3A_40 = tpu.memref_slice %arg4[%dma_start3A_34, %dma_start3A_39] : memref<16x100000xf32, #tpu.memory_space<hbm>> -> memref<1x100000xf32, #tpu.memory_space<hbm>>
    %dma_start3A_41 = tpu.memref_squeeze %dma_start3A_40 : memref<1x100000xf32, #tpu.memory_space<hbm>> -> memref<100000xf32, #tpu.memory_space<hbm>>
    %dma_start3A_42 = arith.constant 0 : i32
    %dma_start3A_43 = tpu.memref_slice %dma_start3A_41[%dma_start3A_42] : memref<100000xf32, #tpu.memory_space<hbm>> -> memref<100000xf32, #tpu.memory_space<hbm>>
    tpu.enqueue_indirect_dma source(%dma_start3A_43 : memref<100000xf32, #tpu.memory_space<hbm>>) target(%dma_start3A_38 : memref<512xf32, #tpu.memory_space<vmem>>) offsets(%arg7 : memref<512xi32, #tpu.memory_space<vmem>>) semaphore(%arg14 : memref<!tpu.dma_semaphore, #tpu.memory_space<semaphore_mem>>)
    %dma_start3A_44 = arith.constant 1 : i32
    %dma_start3A_45 = arith.constant 1 : i32
    %dma_start3A_46 = arith.constant 0 : i32
    %dma_start3A_47 = tpu.memref_slice %arg8[%dma_start3A_45, %dma_start3A_46] : memref<16x512xf32, #tpu.memory_space<vmem>> -> memref<1x512xf32, #tpu.memory_space<vmem>>
    %dma_start3A_48 = tpu.memref_squeeze %dma_start3A_47 : memref<1x512xf32, #tpu.memory_space<vmem>> -> memref<512xf32, #tpu.memory_space<vmem>>
    %dma_start3A_49 = arith.constant 0 : i32
    %dma_start3A_50 = tpu.memref_slice %arg4[%dma_start3A_44, %dma_start3A_49] : memref<16x100000xf32, #tpu.memory_space<hbm>> -> memref<1x100000xf32, #tpu.memory_space<hbm>>
    %dma_start3A_51 = tpu.memref_squeeze %dma_start3A_50 : memref<1x100000xf32, #tpu.memory_space<hbm>> -> memref<100000xf32, #tpu.memory_space<hbm>>
    %dma_start3A_52 = arith.constant 0 : i32
    %dma_start3A_53 = tpu.memref_slice %dma_start3A_51[%dma_start3A_52] : memref<100000xf32, #tpu.memory_space<hbm>> -> memref<100000xf32, #tpu.memory_space<hbm>>
    tpu.enqueue_indirect_dma source(%dma_start3A_53 : memref<100000xf32, #tpu.memory_space<hbm>>) target(%dma_start3A_48 : memref<512xf32, #tpu.memory_space<vmem>>) offsets(%arg7 : memref<512xi32, #tpu.memory_space<vmem>>) semaphore(%arg14 : memref<!tpu.dma_semaphore, #tpu.memory_space<semaphore_mem>>)
    %dma_start3A_54 = arith.constant 2 : i32
    %dma_start3A_55 = arith.constant 2 : i32
    %dma_start3A_56 = arith.constant 0 : i32
    %dma_start3A_57 = tpu.memref_slice %arg8[%dma_start3A_55, %dma_start3A_56] : memref<16x512xf32, #tpu.memory_space<vmem>> -> memref<1x512xf32, #tpu.memory_space<vmem>>
    %dma_start3A_58 = tpu.memref_squeeze %dma_start3A_57 : memref<1x512xf32, #tpu.memory_space<vmem>> -> memref<512xf32, #tpu.memory_space<vmem>>
    %dma_start3A_59 = arith.constant 0 : i32
    %dma_start3A_60 = tpu.memref_slice %arg4[%dma_start3A_54, %dma_start3A_59] : memref<16x100000xf32, #tpu.memory_space<hbm>> -> memref<1x100000xf32, #tpu.memory_space<hbm>>
    %dma_start3A_61 = tpu.memref_squeeze %dma_start3A_60 : memref<1x100000xf32, #tpu.memory_space<hbm>> -> memref<100000xf32, #tpu.memory_space<hbm>>
    %dma_start3A_62 = arith.constant 0 : i32
    %dma_start3A_63 = tpu.memref_slice %dma_start3A_61[%dma_start3A_62] : memref<100000xf32, #tpu.memory_space<hbm>> -> memref<100000xf32, #tpu.memory_space<hbm>>
    tpu.enqueue_indirect_dma source(%dma_start3A_63 : memref<100000xf32, #tpu.memory_space<hbm>>) target(%dma_start3A_58 : memref<512xf32, #tpu.memory_space<vmem>>) offsets(%arg7 : memref<512xi32, #tpu.memory_space<vmem>>) semaphore(%arg14 : memref<!tpu.dma_semaphore, #tpu.memory_space<semaphore_mem>>)
    %dma_start3A_64 = arith.constant 3 : i32
    %dma_start3A_65 = arith.constant 3 : i32
    %dma_start3A_66 = arith.constant 0 : i32
    %dma_start3A_67 = tpu.memref_slice %arg8[%dma_start3A_65, %dma_start3A_66] : memref<16x512xf32, #tpu.memory_space<vmem>> -> memref<1x512xf32, #tpu.memory_space<vmem>>
    %dma_start3A_68 = tpu.memref_squeeze %dma_start3A_67 : memref<1x512xf32, #tpu.memory_space<vmem>> -> memref<512xf32, #tpu.memory_space<vmem>>
    %dma_start3A_69 = arith.constant 0 : i32
    %dma_start3A_70 = tpu.memref_slice %arg4[%dma_start3A_64, %dma_start3A_69] : memref<16x100000xf32, #tpu.memory_space<hbm>> -> memref<1x100000xf32, #tpu.memory_space<hbm>>
    %dma_start3A_71 = tpu.memref_squeeze %dma_start3A_70 : memref<1x100000xf32, #tpu.memory_space<hbm>> -> memref<100000xf32, #tpu.memory_space<hbm>>
    %dma_start3A_72 = arith.constant 0 : i32
    %dma_start3A_73 = tpu.memref_slice %dma_start3A_71[%dma_start3A_72] : memref<100000xf32, #tpu.memory_space<hbm>> -> memref<100000xf32, #tpu.memory_space<hbm>>
    tpu.enqueue_indirect_dma source(%dma_start3A_73 : memref<100000xf32, #tpu.memory_space<hbm>>) target(%dma_start3A_68 : memref<512xf32, #tpu.memory_space<vmem>>) offsets(%arg7 : memref<512xi32, #tpu.memory_space<vmem>>) semaphore(%arg14 : memref<!tpu.dma_semaphore, #tpu.memory_space<semaphore_mem>>)
    %dma_start3A_74 = arith.constant 4 : i32
    %dma_start3A_75 = arith.constant 4 : i32
    %dma_start3A_76 = arith.constant 0 : i32
    %dma_start3A_77 = tpu.memref_slice %arg8[%dma_start3A_75, %dma_start3A_76] : memref<16x512xf32, #tpu.memory_space<vmem>> -> memref<1x512xf32, #tpu.memory_space<vmem>>
    %dma_start3A_78 = tpu.memref_squeeze %dma_start3A_77 : memref<1x512xf32, #tpu.memory_space<vmem>> -> memref<512xf32, #tpu.memory_space<vmem>>
    %dma_start3A_79 = arith.constant 0 : i32
    %dma_start3A_80 = tpu.memref_slice %arg4[%dma_start3A_74, %dma_start3A_79] : memref<16x100000xf32, #tpu.memory_space<hbm>> -> memref<1x100000xf32, #tpu.memory_space<hbm>>
    %dma_start3A_81 = tpu.memref_squeeze %dma_start3A_80 : memref<1x100000xf32, #tpu.memory_space<hbm>> -> memref<100000xf32, #tpu.memory_space<hbm>>
    %dma_start3A_82 = arith.constant 0 : i32
    %dma_start3A_83 = tpu.memref_slice %dma_start3A_81[%dma_start3A_82] : memref<100000xf32, #tpu.memory_space<hbm>> -> memref<100000xf32, #tpu.memory_space<hbm>>
    tpu.enqueue_indirect_dma source(%dma_start3A_83 : memref<100000xf32, #tpu.memory_space<hbm>>) target(%dma_start3A_78 : memref<512xf32, #tpu.memory_space<vmem>>) offsets(%arg7 : memref<512xi32, #tpu.memory_space<vmem>>) semaphore(%arg14 : memref<!tpu.dma_semaphore, #tpu.memory_space<semaphore_mem>>)
    %dma_start3A_84 = arith.constant 5 : i32
    %dma_start3A_85 = arith.constant 5 : i32
    %dma_start3A_86 = arith.constant 0 : i32
    %dma_start3A_87 = tpu.memref_slice %arg8[%dma_start3A_85, %dma_start3A_86] : memref<16x512xf32, #tpu.memory_space<vmem>> -> memref<1x512xf32, #tpu.memory_space<vmem>>
    %dma_start3A_88 = tpu.memref_squeeze %dma_start3A_87 : memref<1x512xf32, #tpu.memory_space<vmem>> -> memref<512xf32, #tpu.memory_space<vmem>>
    %dma_start3A_89 = arith.constant 0 : i32
    %dma_start3A_90 = tpu.memref_slice %arg4[%dma_start3A_84, %dma_start3A_89] : memref<16x100000xf32, #tpu.memory_space<hbm>> -> memref<1x100000xf32, #tpu.memory_space<hbm>>
    %dma_start3A_91 = tpu.memref_squeeze %dma_start3A_90 : memref<1x100000xf32, #tpu.memory_space<hbm>> -> memref<100000xf32, #tpu.memory_space<hbm>>
    %dma_start3A_92 = arith.constant 0 : i32
    %dma_start3A_93 = tpu.memref_slice %dma_start3A_91[%dma_start3A_92] : memref<100000xf32, #tpu.memory_space<hbm>> -> memref<100000xf32, #tpu.memory_space<hbm>>
    tpu.enqueue_indirect_dma source(%dma_start3A_93 : memref<100000xf32, #tpu.memory_space<hbm>>) target(%dma_start3A_88 : memref<512xf32, #tpu.memory_space<vmem>>) offsets(%arg7 : memref<512xi32, #tpu.memory_space<vmem>>) semaphore(%arg14 : memref<!tpu.dma_semaphore, #tpu.memory_space<semaphore_mem>>)
    %dma_start3A_94 = arith.constant 6 : i32
    %dma_start3A_95 = arith.constant 6 : i32
    %dma_start3A_96 = arith.constant 0 : i32
    %dma_start3A_97 = tpu.memref_slice %arg8[%dma_start3A_95, %dma_start3A_96] : memref<16x512xf32, #tpu.memory_space<vmem>> -> memref<1x512xf32, #tpu.memory_space<vmem>>
    %dma_start3A_98 = tpu.memref_squeeze %dma_start3A_97 : memref<1x512xf32, #tpu.memory_space<vmem>> -> memref<512xf32, #tpu.memory_space<vmem>>
    %dma_start3A_99 = arith.constant 0 : i32
    %dma_start3A_100 = tpu.memref_slice %arg4[%dma_start3A_94, %dma_start3A_99] : memref<16x100000xf32, #tpu.memory_space<hbm>> -> memref<1x100000xf32, #tpu.memory_space<hbm>>
    %dma_start3A_101 = tpu.memref_squeeze %dma_start3A_100 : memref<1x100000xf32, #tpu.memory_space<hbm>> -> memref<100000xf32, #tpu.memory_space<hbm>>
    %dma_start3A_102 = arith.constant 0 : i32
    %dma_start3A_103 = tpu.memref_slice %dma_start3A_101[%dma_start3A_102] : memref<100000xf32, #tpu.memory_space<hbm>> -> memref<100000xf32, #tpu.memory_space<hbm>>
    tpu.enqueue_indirect_dma source(%dma_start3A_103 : memref<100000xf32, #tpu.memory_space<hbm>>) target(%dma_start3A_98 : memref<512xf32, #tpu.memory_space<vmem>>) offsets(%arg7 : memref<512xi32, #tpu.memory_space<vmem>>) semaphore(%arg14 : memref<!tpu.dma_semaphore, #tpu.memory_space<semaphore_mem>>)
    %dma_start3A_104 = arith.constant 7 : i32
    %dma_start3A_105 = arith.constant 7 : i32
    %dma_start3A_106 = arith.constant 0 : i32
    %dma_start3A_107 = tpu.memref_slice %arg8[%dma_start3A_105, %dma_start3A_106] : memref<16x512xf32, #tpu.memory_space<vmem>> -> memref<1x512xf32, #tpu.memory_space<vmem>>
    %dma_start3A_108 = tpu.memref_squeeze %dma_start3A_107 : memref<1x512xf32, #tpu.memory_space<vmem>> -> memref<512xf32, #tpu.memory_space<vmem>>
    %dma_start3A_109 = arith.constant 0 : i32
    %dma_start3A_110 = tpu.memref_slice %arg4[%dma_start3A_104, %dma_start3A_109] : memref<16x100000xf32, #tpu.memory_space<hbm>> -> memref<1x100000xf32, #tpu.memory_space<hbm>>
    %dma_start3A_111 = tpu.memref_squeeze %dma_start3A_110 : memref<1x100000xf32, #tpu.memory_space<hbm>> -> memref<100000xf32, #tpu.memory_space<hbm>>
    %dma_start3A_112 = arith.constant 0 : i32
    %dma_start3A_113 = tpu.memref_slice %dma_start3A_111[%dma_start3A_112] : memref<100000xf32, #tpu.memory_space<hbm>> -> memref<100000xf32, #tpu.memory_space<hbm>>
    tpu.enqueue_indirect_dma source(%dma_start3A_113 : memref<100000xf32, #tpu.memory_space<hbm>>) target(%dma_start3A_108 : memref<512xf32, #tpu.memory_space<vmem>>) offsets(%arg7 : memref<512xi32, #tpu.memory_space<vmem>>) semaphore(%arg14 : memref<!tpu.dma_semaphore, #tpu.memory_space<semaphore_mem>>)
    %dma_start3A_114 = arith.constant 8 : i32
    %dma_start3A_115 = arith.constant 8 : i32
    %dma_start3A_116 = arith.constant 0 : i32
    %dma_start3A_117 = tpu.memref_slice %arg8[%dma_start3A_115, %dma_start3A_116] : memref<16x512xf32, #tpu.memory_space<vmem>> -> memref<1x512xf32, #tpu.memory_space<vmem>>
    %dma_start3A_118 = tpu.memref_squeeze %dma_start3A_117 : memref<1x512xf32, #tpu.memory_space<vmem>> -> memref<512xf32, #tpu.memory_space<vmem>>
    %dma_start3A_119 = arith.constant 0 : i32
    %dma_start3A_120 = tpu.memref_slice %arg4[%dma_start3A_114, %dma_start3A_119] : memref<16x100000xf32, #tpu.memory_space<hbm>> -> memref<1x100000xf32, #tpu.memory_space<hbm>>
    %dma_start3A_121 = tpu.memref_squeeze %dma_start3A_120 : memref<1x100000xf32, #tpu.memory_space<hbm>> -> memref<100000xf32, #tpu.memory_space<hbm>>
    %dma_start3A_122 = arith.constant 0 : i32
    %dma_start3A_123 = tpu.memref_slice %dma_start3A_121[%dma_start3A_122] : memref<100000xf32, #tpu.memory_space<hbm>> -> memref<100000xf32, #tpu.memory_space<hbm>>
    tpu.enqueue_indirect_dma source(%dma_start3A_123 : memref<100000xf32, #tpu.memory_space<hbm>>) target(%dma_start3A_118 : memref<512xf32, #tpu.memory_space<vmem>>) offsets(%arg7 : memref<512xi32, #tpu.memory_space<vmem>>) semaphore(%arg14 : memref<!tpu.dma_semaphore, #tpu.memory_space<semaphore_mem>>)
    %dma_start3A_124 = arith.constant 9 : i32
    %dma_start3A_125 = arith.constant 9 : i32
    %dma_start3A_126 = arith.constant 0 : i32
    %dma_start3A_127 = tpu.memref_slice %arg8[%dma_start3A_125, %dma_start3A_126] : memref<16x512xf32, #tpu.memory_space<vmem>> -> memref<1x512xf32, #tpu.memory_space<vmem>>
    %dma_start3A_128 = tpu.memref_squeeze %dma_start3A_127 : memref<1x512xf32, #tpu.memory_space<vmem>> -> memref<512xf32, #tpu.memory_space<vmem>>
    %dma_start3A_129 = arith.constant 0 : i32
    %dma_start3A_130 = tpu.memref_slice %arg4[%dma_start3A_124, %dma_start3A_129] : memref<16x100000xf32, #tpu.memory_space<hbm>> -> memref<1x100000xf32, #tpu.memory_space<hbm>>
    %dma_start3A_131 = tpu.memref_squeeze %dma_start3A_130 : memref<1x100000xf32, #tpu.memory_space<hbm>> -> memref<100000xf32, #tpu.memory_space<hbm>>
    %dma_start3A_132 = arith.constant 0 : i32
    %dma_start3A_133 = tpu.memref_slice %dma_start3A_131[%dma_start3A_132] : memref<100000xf32, #tpu.memory_space<hbm>> -> memref<100000xf32, #tpu.memory_space<hbm>>
    tpu.enqueue_indirect_dma source(%dma_start3A_133 : memref<100000xf32, #tpu.memory_space<hbm>>) target(%dma_start3A_128 : memref<512xf32, #tpu.memory_space<vmem>>) offsets(%arg7 : memref<512xi32, #tpu.memory_space<vmem>>) semaphore(%arg14 : memref<!tpu.dma_semaphore, #tpu.memory_space<semaphore_mem>>)
    %dma_start3A_134 = arith.constant 10 : i32
    %dma_start3A_135 = arith.constant 10 : i32
    %dma_start3A_136 = arith.constant 0 : i32
    %dma_start3A_137 = tpu.memref_slice %arg8[%dma_start3A_135, %dma_start3A_136] : memref<16x512xf32, #tpu.memory_space<vmem>> -> memref<1x512xf32, #tpu.memory_space<vmem>>
    %dma_start3A_138 = tpu.memref_squeeze %dma_start3A_137 : memref<1x512xf32, #tpu.memory_space<vmem>> -> memref<512xf32, #tpu.memory_space<vmem>>
    %dma_start3A_139 = arith.constant 0 : i32
    %dma_start3A_140 = tpu.memref_slice %arg4[%dma_start3A_134, %dma_start3A_139] : memref<16x100000xf32, #tpu.memory_space<hbm>> -> memref<1x100000xf32, #tpu.memory_space<hbm>>
    %dma_start3A_141 = tpu.memref_squeeze %dma_start3A_140 : memref<1x100000xf32, #tpu.memory_space<hbm>> -> memref<100000xf32, #tpu.memory_space<hbm>>
    %dma_start3A_142 = arith.constant 0 : i32
    %dma_start3A_143 = tpu.memref_slice %dma_start3A_141[%dma_start3A_142] : memref<100000xf32, #tpu.memory_space<hbm>> -> memref<100000xf32, #tpu.memory_space<hbm>>
    tpu.enqueue_indirect_dma source(%dma_start3A_143 : memref<100000xf32, #tpu.memory_space<hbm>>) target(%dma_start3A_138 : memref<512xf32, #tpu.memory_space<vmem>>) offsets(%arg7 : memref<512xi32, #tpu.memory_space<vmem>>) semaphore(%arg14 : memref<!tpu.dma_semaphore, #tpu.memory_space<semaphore_mem>>)
    %dma_start3A_144 = arith.constant 11 : i32
    %dma_start3A_145 = arith.constant 11 : i32
    %dma_start3A_146 = arith.constant 0 : i32
    %dma_start3A_147 = tpu.memref_slice %arg8[%dma_start3A_145, %dma_start3A_146] : memref<16x512xf32, #tpu.memory_space<vmem>> -> memref<1x512xf32, #tpu.memory_space<vmem>>
    %dma_start3A_148 = tpu.memref_squeeze %dma_start3A_147 : memref<1x512xf32, #tpu.memory_space<vmem>> -> memref<512xf32, #tpu.memory_space<vmem>>
    %dma_start3A_149 = arith.constant 0 : i32
    %dma_start3A_150 = tpu.memref_slice %arg4[%dma_start3A_144, %dma_start3A_149] : memref<16x100000xf32, #tpu.memory_space<hbm>> -> memref<1x100000xf32, #tpu.memory_space<hbm>>
    %dma_start3A_151 = tpu.memref_squeeze %dma_start3A_150 : memref<1x100000xf32, #tpu.memory_space<hbm>> -> memref<100000xf32, #tpu.memory_space<hbm>>
    %dma_start3A_152 = arith.constant 0 : i32
    %dma_start3A_153 = tpu.memref_slice %dma_start3A_151[%dma_start3A_152] : memref<100000xf32, #tpu.memory_space<hbm>> -> memref<100000xf32, #tpu.memory_space<hbm>>
    tpu.enqueue_indirect_dma source(%dma_start3A_153 : memref<100000xf32, #tpu.memory_space<hbm>>) target(%dma_start3A_148 : memref<512xf32, #tpu.memory_space<vmem>>) offsets(%arg7 : memref<512xi32, #tpu.memory_space<vmem>>) semaphore(%arg14 : memref<!tpu.dma_semaphore, #tpu.memory_space<semaphore_mem>>)
    %dma_start3A_154 = arith.constant 12 : i32
    %dma_start3A_155 = arith.constant 12 : i32
    %dma_start3A_156 = arith.constant 0 : i32
    %dma_start3A_157 = tpu.memref_slice %arg8[%dma_start3A_155, %dma_start3A_156] : memref<16x512xf32, #tpu.memory_space<vmem>> -> memref<1x512xf32, #tpu.memory_space<vmem>>
    %dma_start3A_158 = tpu.memref_squeeze %dma_start3A_157 : memref<1x512xf32, #tpu.memory_space<vmem>> -> memref<512xf32, #tpu.memory_space<vmem>>
    %dma_start3A_159 = arith.constant 0 : i32
    %dma_start3A_160 = tpu.memref_slice %arg4[%dma_start3A_154, %dma_start3A_159] : memref<16x100000xf32, #tpu.memory_space<hbm>> -> memref<1x100000xf32, #tpu.memory_space<hbm>>
    %dma_start3A_161 = tpu.memref_squeeze %dma_start3A_160 : memref<1x100000xf32, #tpu.memory_space<hbm>> -> memref<100000xf32, #tpu.memory_space<hbm>>
    %dma_start3A_162 = arith.constant 0 : i32
    %dma_start3A_163 = tpu.memref_slice %dma_start3A_161[%dma_start3A_162] : memref<100000xf32, #tpu.memory_space<hbm>> -> memref<100000xf32, #tpu.memory_space<hbm>>
    tpu.enqueue_indirect_dma source(%dma_start3A_163 : memref<100000xf32, #tpu.memory_space<hbm>>) target(%dma_start3A_158 : memref<512xf32, #tpu.memory_space<vmem>>) offsets(%arg7 : memref<512xi32, #tpu.memory_space<vmem>>) semaphore(%arg14 : memref<!tpu.dma_semaphore, #tpu.memory_space<semaphore_mem>>)
    %dma_start3A_164 = arith.constant 13 : i32
    %dma_start3A_165 = arith.constant 13 : i32
    %dma_start3A_166 = arith.constant 0 : i32
    %dma_start3A_167 = tpu.memref_slice %arg8[%dma_start3A_165, %dma_start3A_166] : memref<16x512xf32, #tpu.memory_space<vmem>> -> memref<1x512xf32, #tpu.memory_space<vmem>>
    %dma_start3A_168 = tpu.memref_squeeze %dma_start3A_167 : memref<1x512xf32, #tpu.memory_space<vmem>> -> memref<512xf32, #tpu.memory_space<vmem>>
    %dma_start3A_169 = arith.constant 0 : i32
    %dma_start3A_170 = tpu.memref_slice %arg4[%dma_start3A_164, %dma_start3A_169] : memref<16x100000xf32, #tpu.memory_space<hbm>> -> memref<1x100000xf32, #tpu.memory_space<hbm>>
    %dma_start3A_171 = tpu.memref_squeeze %dma_start3A_170 : memref<1x100000xf32, #tpu.memory_space<hbm>> -> memref<100000xf32, #tpu.memory_space<hbm>>
    %dma_start3A_172 = arith.constant 0 : i32
    %dma_start3A_173 = tpu.memref_slice %dma_start3A_171[%dma_start3A_172] : memref<100000xf32, #tpu.memory_space<hbm>> -> memref<100000xf32, #tpu.memory_space<hbm>>
    tpu.enqueue_indirect_dma source(%dma_start3A_173 : memref<100000xf32, #tpu.memory_space<hbm>>) target(%dma_start3A_168 : memref<512xf32, #tpu.memory_space<vmem>>) offsets(%arg7 : memref<512xi32, #tpu.memory_space<vmem>>) semaphore(%arg14 : memref<!tpu.dma_semaphore, #tpu.memory_space<semaphore_mem>>)
    %dma_start3A_174 = arith.constant 14 : i32
    %dma_start3A_175 = arith.constant 14 : i32
    %dma_start3A_176 = arith.constant 0 : i32
    %dma_start3A_177 = tpu.memref_slice %arg8[%dma_start3A_175, %dma_start3A_176] : memref<16x512xf32, #tpu.memory_space<vmem>> -> memref<1x512xf32, #tpu.memory_space<vmem>>
    %dma_start3A_178 = tpu.memref_squeeze %dma_start3A_177 : memref<1x512xf32, #tpu.memory_space<vmem>> -> memref<512xf32, #tpu.memory_space<vmem>>
    %dma_start3A_179 = arith.constant 0 : i32
    %dma_start3A_180 = tpu.memref_slice %arg4[%dma_start3A_174, %dma_start3A_179] : memref<16x100000xf32, #tpu.memory_space<hbm>> -> memref<1x100000xf32, #tpu.memory_space<hbm>>
    %dma_start3A_181 = tpu.memref_squeeze %dma_start3A_180 : memref<1x100000xf32, #tpu.memory_space<hbm>> -> memref<100000xf32, #tpu.memory_space<hbm>>
    %dma_start3A_182 = arith.constant 0 : i32
    %dma_start3A_183 = tpu.memref_slice %dma_start3A_181[%dma_start3A_182] : memref<100000xf32, #tpu.memory_space<hbm>> -> memref<100000xf32, #tpu.memory_space<hbm>>
    tpu.enqueue_indirect_dma source(%dma_start3A_183 : memref<100000xf32, #tpu.memory_space<hbm>>) target(%dma_start3A_178 : memref<512xf32, #tpu.memory_space<vmem>>) offsets(%arg7 : memref<512xi32, #tpu.memory_space<vmem>>) semaphore(%arg14 : memref<!tpu.dma_semaphore, #tpu.memory_space<semaphore_mem>>)
    %dma_start3A_184 = arith.constant 15 : i32
    %dma_start3A_185 = arith.constant 15 : i32
    %dma_start3A_186 = arith.constant 0 : i32
    %dma_start3A_187 = tpu.memref_slice %arg8[%dma_start3A_185, %dma_start3A_186] : memref<16x512xf32, #tpu.memory_space<vmem>> -> memref<1x512xf32, #tpu.memory_space<vmem>>
    %dma_start3A_188 = tpu.memref_squeeze %dma_start3A_187 : memref<1x512xf32, #tpu.memory_space<vmem>> -> memref<512xf32, #tpu.memory_space<vmem>>
    %dma_start3A_189 = arith.constant 0 : i32
    %dma_start3A_190 = tpu.memref_slice %arg4[%dma_start3A_184, %dma_start3A_189] : memref<16x100000xf32, #tpu.memory_space<hbm>> -> memref<1x100000xf32, #tpu.memory_space<hbm>>
    %dma_start3A_191 = tpu.memref_squeeze %dma_start3A_190 : memref<1x100000xf32, #tpu.memory_space<hbm>> -> memref<100000xf32, #tpu.memory_space<hbm>>
    %dma_start3A_192 = arith.constant 0 : i32
    %dma_start3A_193 = tpu.memref_slice %dma_start3A_191[%dma_start3A_192] : memref<100000xf32, #tpu.memory_space<hbm>> -> memref<100000xf32, #tpu.memory_space<hbm>>
    tpu.enqueue_indirect_dma source(%dma_start3A_193 : memref<100000xf32, #tpu.memory_space<hbm>>) target(%dma_start3A_188 : memref<512xf32, #tpu.memory_space<vmem>>) offsets(%arg7 : memref<512xi32, #tpu.memory_space<vmem>>) semaphore(%arg14 : memref<!tpu.dma_semaphore, #tpu.memory_space<semaphore_mem>>)
    %dma_wait3A = arith.constant 0 : i32
    %dma_wait3A_194 = arith.constant 0 : i32
    %dma_wait3A_195 = tpu.memref_slice %arg9[%dma_wait3A, %dma_wait3A_194] : memref<512x128xf32, #tpu.memory_space<vmem>> -> memref<128x128xf32, #tpu.memory_space<vmem>>
    %dma_wait3A_196 = arith.constant 0 : i32
    %dma_wait3A_197 = tpu.memref_slice %arg7[%dma_wait3A_196] : memref<512xi32, #tpu.memory_space<vmem>> -> memref<128xi32, #tpu.memory_space<vmem>>
    %dma_wait3A_198 = arith.constant 0 : i32
    %dma_wait3A_199 = arith.constant 0 : i32
    %dma_wait3A_200 = tpu.memref_slice %arg3[%dma_wait3A_198, %dma_wait3A_199] : memref<100000x128xf32, #tpu.memory_space<hbm>> -> memref<100000x128xf32, #tpu.memory_space<hbm>>
    tpu.wait_indirect_dma semaphore(%arg10 : memref<!tpu.dma_semaphore, #tpu.memory_space<semaphore_mem>>) src(%dma_wait3A_200 : memref<100000x128xf32, #tpu.memory_space<hbm>>) dst(%dma_wait3A_195 : memref<128x128xf32, #tpu.memory_space<vmem>>)
    %add3A_201 = arith.constant 0 : i32
    %add3A_202 = arith.addi %mul3A_2, %add3A_201 : i32
    %dma_start3A_203 = arith.constant 0 : i32
    %dma_start3A_204 = arith.constant 0 : i32
    %dma_start3A_205 = tpu.memref_slice %arg9[%dma_start3A_203, %dma_start3A_204] : memref<512x128xf32, #tpu.memory_space<vmem>> -> memref<128x128xf32, #tpu.memory_space<vmem>>
    %dma_start3A_206 = arith.constant 0 : i32
    %dma_start3A_207 = tpu.memref_slice %arg5[%add3A_202, %dma_start3A_206] : memref<16384x128xf32, #tpu.memory_space<hbm>> -> memref<128x128xf32, #tpu.memory_space<hbm>>
    %dma_start3A_208 = arith.constant 0 : i32
    %dma_start3A_209 = tpu.memref_slice %arg5[%add3A_202, %dma_start3A_208] : memref<16384x128xf32, #tpu.memory_space<hbm>> -> memref<128x128xf32, #tpu.memory_space<hbm>>
    %dma_start3A_210 = arith.constant 0 : i32
    %dma_start3A_211 = arith.constant 0 : i32
    %dma_start3A_212 = tpu.memref_slice %arg9[%dma_start3A_210, %dma_start3A_211] : memref<512x128xf32, #tpu.memory_space<vmem>> -> memref<128x128xf32, #tpu.memory_space<vmem>>
    tpu.enqueue_dma source(%dma_start3A_212 : memref<128x128xf32, #tpu.memory_space<vmem>>) target(%dma_start3A_209 : memref<128x128xf32, #tpu.memory_space<hbm>>) target_semaphore(%arg15 : memref<!tpu.dma_semaphore, #tpu.memory_space<semaphore_mem>>)
    %dma_wait3A_213 = arith.constant 128 : i32
    %dma_wait3A_214 = arith.constant 0 : i32
    %dma_wait3A_215 = tpu.memref_slice %arg9[%dma_wait3A_213, %dma_wait3A_214] : memref<512x128xf32, #tpu.memory_space<vmem>> -> memref<128x128xf32, #tpu.memory_space<vmem>>
    %dma_wait3A_216 = arith.constant 128 : i32
    %dma_wait3A_217 = tpu.memref_slice %arg7[%dma_wait3A_216] : memref<512xi32, #tpu.memory_space<vmem>> -> memref<128xi32, #tpu.memory_space<vmem>>
    %dma_wait3A_218 = arith.constant 0 : i32
    %dma_wait3A_219 = arith.constant 0 : i32
    %dma_wait3A_220 = tpu.memref_slice %arg3[%dma_wait3A_218, %dma_wait3A_219] : memref<100000x128xf32, #tpu.memory_space<hbm>> -> memref<100000x128xf32, #tpu.memory_space<hbm>>
    tpu.wait_indirect_dma semaphore(%arg11 : memref<!tpu.dma_semaphore, #tpu.memory_space<semaphore_mem>>) src(%dma_wait3A_220 : memref<100000x128xf32, #tpu.memory_space<hbm>>) dst(%dma_wait3A_215 : memref<128x128xf32, #tpu.memory_space<vmem>>)
    %add3A_221 = arith.constant 128 : i32
    %add3A_222 = arith.addi %mul3A_2, %add3A_221 : i32
    %dma_start3A_223 = arith.constant 128 : i32
    %dma_start3A_224 = arith.constant 0 : i32
    %dma_start3A_225 = tpu.memref_slice %arg9[%dma_start3A_223, %dma_start3A_224] : memref<512x128xf32, #tpu.memory_space<vmem>> -> memref<128x128xf32, #tpu.memory_space<vmem>>
    %dma_start3A_226 = arith.constant 0 : i32
    %dma_start3A_227 = tpu.memref_slice %arg5[%add3A_222, %dma_start3A_226] : memref<16384x128xf32, #tpu.memory_space<hbm>> -> memref<128x128xf32, #tpu.memory_space<hbm>>
    %dma_start3A_228 = arith.constant 0 : i32
    %dma_start3A_229 = tpu.memref_slice %arg5[%add3A_222, %dma_start3A_228] : memref<16384x128xf32, #tpu.memory_space<hbm>> -> memref<128x128xf32, #tpu.memory_space<hbm>>
    %dma_start3A_230 = arith.constant 128 : i32
    %dma_start3A_231 = arith.constant 0 : i32
    %dma_start3A_232 = tpu.memref_slice %arg9[%dma_start3A_230, %dma_start3A_231] : memref<512x128xf32, #tpu.memory_space<vmem>> -> memref<128x128xf32, #tpu.memory_space<vmem>>
    tpu.enqueue_dma source(%dma_start3A_232 : memref<128x128xf32, #tpu.memory_space<vmem>>) target(%dma_start3A_229 : memref<128x128xf32, #tpu.memory_space<hbm>>) target_semaphore(%arg15 : memref<!tpu.dma_semaphore, #tpu.memory_space<semaphore_mem>>)
    %dma_wait3A_233 = arith.constant 256 : i32
    %dma_wait3A_234 = arith.constant 0 : i32
    %dma_wait3A_235 = tpu.memref_slice %arg9[%dma_wait3A_233, %dma_wait3A_234] : memref<512x128xf32, #tpu.memory_space<vmem>> -> memref<128x128xf32, #tpu.memory_space<vmem>>
    %dma_wait3A_236 = arith.constant 256 : i32
    %dma_wait3A_237 = tpu.memref_slice %arg7[%dma_wait3A_236] : memref<512xi32, #tpu.memory_space<vmem>> -> memref<128xi32, #tpu.memory_space<vmem>>
    %dma_wait3A_238 = arith.constant 0 : i32
    %dma_wait3A_239 = arith.constant 0 : i32
    %dma_wait3A_240 = tpu.memref_slice %arg3[%dma_wait3A_238, %dma_wait3A_239] : memref<100000x128xf32, #tpu.memory_space<hbm>> -> memref<100000x128xf32, #tpu.memory_space<hbm>>
    tpu.wait_indirect_dma semaphore(%arg12 : memref<!tpu.dma_semaphore, #tpu.memory_space<semaphore_mem>>) src(%dma_wait3A_240 : memref<100000x128xf32, #tpu.memory_space<hbm>>) dst(%dma_wait3A_235 : memref<128x128xf32, #tpu.memory_space<vmem>>)
    %add3A_241 = arith.constant 256 : i32
    %add3A_242 = arith.addi %mul3A_2, %add3A_241 : i32
    %dma_start3A_243 = arith.constant 256 : i32
    %dma_start3A_244 = arith.constant 0 : i32
    %dma_start3A_245 = tpu.memref_slice %arg9[%dma_start3A_243, %dma_start3A_244] : memref<512x128xf32, #tpu.memory_space<vmem>> -> memref<128x128xf32, #tpu.memory_space<vmem>>
    %dma_start3A_246 = arith.constant 0 : i32
    %dma_start3A_247 = tpu.memref_slice %arg5[%add3A_242, %dma_start3A_246] : memref<16384x128xf32, #tpu.memory_space<hbm>> -> memref<128x128xf32, #tpu.memory_space<hbm>>
    %dma_start3A_248 = arith.constant 0 : i32
    %dma_start3A_249 = tpu.memref_slice %arg5[%add3A_242, %dma_start3A_248] : memref<16384x128xf32, #tpu.memory_space<hbm>> -> memref<128x128xf32, #tpu.memory_space<hbm>>
    %dma_start3A_250 = arith.constant 256 : i32
    %dma_start3A_251 = arith.constant 0 : i32
    %dma_start3A_252 = tpu.memref_slice %arg9[%dma_start3A_250, %dma_start3A_251] : memref<512x128xf32, #tpu.memory_space<vmem>> -> memref<128x128xf32, #tpu.memory_space<vmem>>
    tpu.enqueue_dma source(%dma_start3A_252 : memref<128x128xf32, #tpu.memory_space<vmem>>) target(%dma_start3A_249 : memref<128x128xf32, #tpu.memory_space<hbm>>) target_semaphore(%arg15 : memref<!tpu.dma_semaphore, #tpu.memory_space<semaphore_mem>>)
    %dma_wait3A_253 = arith.constant 384 : i32
    %dma_wait3A_254 = arith.constant 0 : i32
    %dma_wait3A_255 = tpu.memref_slice %arg9[%dma_wait3A_253, %dma_wait3A_254] : memref<512x128xf32, #tpu.memory_space<vmem>> -> memref<128x128xf32, #tpu.memory_space<vmem>>
    %dma_wait3A_256 = arith.constant 384 : i32
    %dma_wait3A_257 = tpu.memref_slice %arg7[%dma_wait3A_256] : memref<512xi32, #tpu.memory_space<vmem>> -> memref<128xi32, #tpu.memory_space<vmem>>
    %dma_wait3A_258 = arith.constant 0 : i32
    %dma_wait3A_259 = arith.constant 0 : i32
    %dma_wait3A_260 = tpu.memref_slice %arg3[%dma_wait3A_258, %dma_wait3A_259] : memref<100000x128xf32, #tpu.memory_space<hbm>> -> memref<100000x128xf32, #tpu.memory_space<hbm>>
    tpu.wait_indirect_dma semaphore(%arg13 : memref<!tpu.dma_semaphore, #tpu.memory_space<semaphore_mem>>) src(%dma_wait3A_260 : memref<100000x128xf32, #tpu.memory_space<hbm>>) dst(%dma_wait3A_255 : memref<128x128xf32, #tpu.memory_space<vmem>>)
    %add3A_261 = arith.constant 384 : i32
    %add3A_262 = arith.addi %mul3A_2, %add3A_261 : i32
    %dma_start3A_263 = arith.constant 384 : i32
    %dma_start3A_264 = arith.constant 0 : i32
    %dma_start3A_265 = tpu.memref_slice %arg9[%dma_start3A_263, %dma_start3A_264] : memref<512x128xf32, #tpu.memory_space<vmem>> -> memref<128x128xf32, #tpu.memory_space<vmem>>
    %dma_start3A_266 = arith.constant 0 : i32
    %dma_start3A_267 = tpu.memref_slice %arg5[%add3A_262, %dma_start3A_266] : memref<16384x128xf32, #tpu.memory_space<hbm>> -> memref<128x128xf32, #tpu.memory_space<hbm>>
    %dma_start3A_268 = arith.constant 0 : i32
    %dma_start3A_269 = tpu.memref_slice %arg5[%add3A_262, %dma_start3A_268] : memref<16384x128xf32, #tpu.memory_space<hbm>> -> memref<128x128xf32, #tpu.memory_space<hbm>>
    %dma_start3A_270 = arith.constant 384 : i32
    %dma_start3A_271 = arith.constant 0 : i32
    %dma_start3A_272 = tpu.memref_slice %arg9[%dma_start3A_270, %dma_start3A_271] : memref<512x128xf32, #tpu.memory_space<vmem>> -> memref<128x128xf32, #tpu.memory_space<vmem>>
    tpu.enqueue_dma source(%dma_start3A_272 : memref<128x128xf32, #tpu.memory_space<vmem>>) target(%dma_start3A_269 : memref<128x128xf32, #tpu.memory_space<hbm>>) target_semaphore(%arg15 : memref<!tpu.dma_semaphore, #tpu.memory_space<semaphore_mem>>)
    %dma_wait3A_273 = arith.constant 0 : i32
    %dma_wait3A_274 = arith.constant 0 : i32
    %dma_wait3A_275 = arith.constant 0 : i32
    %dma_wait3A_276 = tpu.memref_slice %arg8[%dma_wait3A_274, %dma_wait3A_275] : memref<16x512xf32, #tpu.memory_space<vmem>> -> memref<1x512xf32, #tpu.memory_space<vmem>>
    %dma_wait3A_277 = tpu.memref_squeeze %dma_wait3A_276 : memref<1x512xf32, #tpu.memory_space<vmem>> -> memref<512xf32, #tpu.memory_space<vmem>>
    %dma_wait3A_278 = arith.constant 0 : i32
    %dma_wait3A_279 = tpu.memref_slice %arg4[%dma_wait3A_273, %dma_wait3A_278] : memref<16x100000xf32, #tpu.memory_space<hbm>> -> memref<1x100000xf32, #tpu.memory_space<hbm>>
    %dma_wait3A_280 = tpu.memref_squeeze %dma_wait3A_279 : memref<1x100000xf32, #tpu.memory_space<hbm>> -> memref<100000xf32, #tpu.memory_space<hbm>>
    %dma_wait3A_281 = arith.constant 0 : i32
    %dma_wait3A_282 = tpu.memref_slice %dma_wait3A_280[%dma_wait3A_281] : memref<100000xf32, #tpu.memory_space<hbm>> -> memref<100000xf32, #tpu.memory_space<hbm>>
    tpu.wait_indirect_dma semaphore(%arg14 : memref<!tpu.dma_semaphore, #tpu.memory_space<semaphore_mem>>) src(%dma_wait3A_282 : memref<100000xf32, #tpu.memory_space<hbm>>) dst(%dma_wait3A_277 : memref<512xf32, #tpu.memory_space<vmem>>)
    %dma_start3A_283 = arith.constant 0 : i32
    %dma_start3A_284 = arith.constant 0 : i32
    %dma_start3A_285 = arith.constant 0 : i32
    %dma_start3A_286 = tpu.memref_slice %arg8[%dma_start3A_283, %dma_start3A_285] : memref<16x512xf32, #tpu.memory_space<vmem>> -> memref<1x512xf32, #tpu.memory_space<vmem>>
    %dma_start3A_287 = tpu.memref_squeeze %dma_start3A_286 : memref<1x512xf32, #tpu.memory_space<vmem>> -> memref<512xf32, #tpu.memory_space<vmem>>
    %dma_start3A_288 = tpu.memref_slice %arg6[%dma_start3A_284, %mul3A_2] : memref<16x16384xf32, #tpu.memory_space<hbm>> -> memref<1x512xf32, #tpu.memory_space<hbm>>
    %dma_start3A_289 = tpu.memref_squeeze %dma_start3A_288 : memref<1x512xf32, #tpu.memory_space<hbm>> -> memref<512xf32, #tpu.memory_space<hbm>>
    %dma_start3A_290 = tpu.memref_slice %arg6[%dma_start3A_284, %mul3A_2] : memref<16x16384xf32, #tpu.memory_space<hbm>> -> memref<1x512xf32, #tpu.memory_space<hbm>>
    %dma_start3A_291 = tpu.memref_squeeze %dma_start3A_290 : memref<1x512xf32, #tpu.memory_space<hbm>> -> memref<512xf32, #tpu.memory_space<hbm>>
    %dma_start3A_292 = arith.constant 0 : i32
    %dma_start3A_293 = tpu.memref_slice %arg8[%dma_start3A_283, %dma_start3A_292] : memref<16x512xf32, #tpu.memory_space<vmem>> -> memref<1x512xf32, #tpu.memory_space<vmem>>
    %dma_start3A_294 = tpu.memref_squeeze %dma_start3A_293 : memref<1x512xf32, #tpu.memory_space<vmem>> -> memref<512xf32, #tpu.memory_space<vmem>>
    tpu.enqueue_dma source(%dma_start3A_294 : memref<512xf32, #tpu.memory_space<vmem>>) target(%dma_start3A_291 : memref<512xf32, #tpu.memory_space<hbm>>) target_semaphore(%arg15 : memref<!tpu.dma_semaphore, #tpu.memory_space<semaphore_mem>>)
    %dma_wait3A_295 = arith.constant 1 : i32
    %dma_wait3A_296 = arith.constant 1 : i32
    %dma_wait3A_297 = arith.constant 0 : i32
    %dma_wait3A_298 = tpu.memref_slice %arg8[%dma_wait3A_296, %dma_wait3A_297] : memref<16x512xf32, #tpu.memory_space<vmem>> -> memref<1x512xf32, #tpu.memory_space<vmem>>
    %dma_wait3A_299 = tpu.memref_squeeze %dma_wait3A_298 : memref<1x512xf32, #tpu.memory_space<vmem>> -> memref<512xf32, #tpu.memory_space<vmem>>
    %dma_wait3A_300 = arith.constant 0 : i32
    %dma_wait3A_301 = tpu.memref_slice %arg4[%dma_wait3A_295, %dma_wait3A_300] : memref<16x100000xf32, #tpu.memory_space<hbm>> -> memref<1x100000xf32, #tpu.memory_space<hbm>>
    %dma_wait3A_302 = tpu.memref_squeeze %dma_wait3A_301 : memref<1x100000xf32, #tpu.memory_space<hbm>> -> memref<100000xf32, #tpu.memory_space<hbm>>
    %dma_wait3A_303 = arith.constant 0 : i32
    %dma_wait3A_304 = tpu.memref_slice %dma_wait3A_302[%dma_wait3A_303] : memref<100000xf32, #tpu.memory_space<hbm>> -> memref<100000xf32, #tpu.memory_space<hbm>>
    tpu.wait_indirect_dma semaphore(%arg14 : memref<!tpu.dma_semaphore, #tpu.memory_space<semaphore_mem>>) src(%dma_wait3A_304 : memref<100000xf32, #tpu.memory_space<hbm>>) dst(%dma_wait3A_299 : memref<512xf32, #tpu.memory_space<vmem>>)
    %dma_start3A_305 = arith.constant 1 : i32
    %dma_start3A_306 = arith.constant 1 : i32
    %dma_start3A_307 = arith.constant 0 : i32
    %dma_start3A_308 = tpu.memref_slice %arg8[%dma_start3A_305, %dma_start3A_307] : memref<16x512xf32, #tpu.memory_space<vmem>> -> memref<1x512xf32, #tpu.memory_space<vmem>>
    %dma_start3A_309 = tpu.memref_squeeze %dma_start3A_308 : memref<1x512xf32, #tpu.memory_space<vmem>> -> memref<512xf32, #tpu.memory_space<vmem>>
    %dma_start3A_310 = tpu.memref_slice %arg6[%dma_start3A_306, %mul3A_2] : memref<16x16384xf32, #tpu.memory_space<hbm>> -> memref<1x512xf32, #tpu.memory_space<hbm>>
    %dma_start3A_311 = tpu.memref_squeeze %dma_start3A_310 : memref<1x512xf32, #tpu.memory_space<hbm>> -> memref<512xf32, #tpu.memory_space<hbm>>
    %dma_start3A_312 = tpu.memref_slice %arg6[%dma_start3A_306, %mul3A_2] : memref<16x16384xf32, #tpu.memory_space<hbm>> -> memref<1x512xf32, #tpu.memory_space<hbm>>
    %dma_start3A_313 = tpu.memref_squeeze %dma_start3A_312 : memref<1x512xf32, #tpu.memory_space<hbm>> -> memref<512xf32, #tpu.memory_space<hbm>>
    %dma_start3A_314 = arith.constant 0 : i32
    %dma_start3A_315 = tpu.memref_slice %arg8[%dma_start3A_305, %dma_start3A_314] : memref<16x512xf32, #tpu.memory_space<vmem>> -> memref<1x512xf32, #tpu.memory_space<vmem>>
    %dma_start3A_316 = tpu.memref_squeeze %dma_start3A_315 : memref<1x512xf32, #tpu.memory_space<vmem>> -> memref<512xf32, #tpu.memory_space<vmem>>
    tpu.enqueue_dma source(%dma_start3A_316 : memref<512xf32, #tpu.memory_space<vmem>>) target(%dma_start3A_313 : memref<512xf32, #tpu.memory_space<hbm>>) target_semaphore(%arg15 : memref<!tpu.dma_semaphore, #tpu.memory_space<semaphore_mem>>)
    %dma_wait3A_317 = arith.constant 2 : i32
    %dma_wait3A_318 = arith.constant 2 : i32
    %dma_wait3A_319 = arith.constant 0 : i32
    %dma_wait3A_320 = tpu.memref_slice %arg8[%dma_wait3A_318, %dma_wait3A_319] : memref<16x512xf32, #tpu.memory_space<vmem>> -> memref<1x512xf32, #tpu.memory_space<vmem>>
    %dma_wait3A_321 = tpu.memref_squeeze %dma_wait3A_320 : memref<1x512xf32, #tpu.memory_space<vmem>> -> memref<512xf32, #tpu.memory_space<vmem>>
    %dma_wait3A_322 = arith.constant 0 : i32
    %dma_wait3A_323 = tpu.memref_slice %arg4[%dma_wait3A_317, %dma_wait3A_322] : memref<16x100000xf32, #tpu.memory_space<hbm>> -> memref<1x100000xf32, #tpu.memory_space<hbm>>
    %dma_wait3A_324 = tpu.memref_squeeze %dma_wait3A_323 : memref<1x100000xf32, #tpu.memory_space<hbm>> -> memref<100000xf32, #tpu.memory_space<hbm>>
    %dma_wait3A_325 = arith.constant 0 : i32
    %dma_wait3A_326 = tpu.memref_slice %dma_wait3A_324[%dma_wait3A_325] : memref<100000xf32, #tpu.memory_space<hbm>> -> memref<100000xf32, #tpu.memory_space<hbm>>
    tpu.wait_indirect_dma semaphore(%arg14 : memref<!tpu.dma_semaphore, #tpu.memory_space<semaphore_mem>>) src(%dma_wait3A_326 : memref<100000xf32, #tpu.memory_space<hbm>>) dst(%dma_wait3A_321 : memref<512xf32, #tpu.memory_space<vmem>>)
    %dma_start3A_327 = arith.constant 2 : i32
    %dma_start3A_328 = arith.constant 2 : i32
    %dma_start3A_329 = arith.constant 0 : i32
    %dma_start3A_330 = tpu.memref_slice %arg8[%dma_start3A_327, %dma_start3A_329] : memref<16x512xf32, #tpu.memory_space<vmem>> -> memref<1x512xf32, #tpu.memory_space<vmem>>
    %dma_start3A_331 = tpu.memref_squeeze %dma_start3A_330 : memref<1x512xf32, #tpu.memory_space<vmem>> -> memref<512xf32, #tpu.memory_space<vmem>>
    %dma_start3A_332 = tpu.memref_slice %arg6[%dma_start3A_328, %mul3A_2] : memref<16x16384xf32, #tpu.memory_space<hbm>> -> memref<1x512xf32, #tpu.memory_space<hbm>>
    %dma_start3A_333 = tpu.memref_squeeze %dma_start3A_332 : memref<1x512xf32, #tpu.memory_space<hbm>> -> memref<512xf32, #tpu.memory_space<hbm>>
    %dma_start3A_334 = tpu.memref_slice %arg6[%dma_start3A_328, %mul3A_2] : memref<16x16384xf32, #tpu.memory_space<hbm>> -> memref<1x512xf32, #tpu.memory_space<hbm>>
    %dma_start3A_335 = tpu.memref_squeeze %dma_start3A_334 : memref<1x512xf32, #tpu.memory_space<hbm>> -> memref<512xf32, #tpu.memory_space<hbm>>
    %dma_start3A_336 = arith.constant 0 : i32
    %dma_start3A_337 = tpu.memref_slice %arg8[%dma_start3A_327, %dma_start3A_336] : memref<16x512xf32, #tpu.memory_space<vmem>> -> memref<1x512xf32, #tpu.memory_space<vmem>>
    %dma_start3A_338 = tpu.memref_squeeze %dma_start3A_337 : memref<1x512xf32, #tpu.memory_space<vmem>> -> memref<512xf32, #tpu.memory_space<vmem>>
    tpu.enqueue_dma source(%dma_start3A_338 : memref<512xf32, #tpu.memory_space<vmem>>) target(%dma_start3A_335 : memref<512xf32, #tpu.memory_space<hbm>>) target_semaphore(%arg15 : memref<!tpu.dma_semaphore, #tpu.memory_space<semaphore_mem>>)
    %dma_wait3A_339 = arith.constant 3 : i32
    %dma_wait3A_340 = arith.constant 3 : i32
    %dma_wait3A_341 = arith.constant 0 : i32
    %dma_wait3A_342 = tpu.memref_slice %arg8[%dma_wait3A_340, %dma_wait3A_341] : memref<16x512xf32, #tpu.memory_space<vmem>> -> memref<1x512xf32, #tpu.memory_space<vmem>>
    %dma_wait3A_343 = tpu.memref_squeeze %dma_wait3A_342 : memref<1x512xf32, #tpu.memory_space<vmem>> -> memref<512xf32, #tpu.memory_space<vmem>>
    %dma_wait3A_344 = arith.constant 0 : i32
    %dma_wait3A_345 = tpu.memref_slice %arg4[%dma_wait3A_339, %dma_wait3A_344] : memref<16x100000xf32, #tpu.memory_space<hbm>> -> memref<1x100000xf32, #tpu.memory_space<hbm>>
    %dma_wait3A_346 = tpu.memref_squeeze %dma_wait3A_345 : memref<1x100000xf32, #tpu.memory_space<hbm>> -> memref<100000xf32, #tpu.memory_space<hbm>>
    %dma_wait3A_347 = arith.constant 0 : i32
    %dma_wait3A_348 = tpu.memref_slice %dma_wait3A_346[%dma_wait3A_347] : memref<100000xf32, #tpu.memory_space<hbm>> -> memref<100000xf32, #tpu.memory_space<hbm>>
    tpu.wait_indirect_dma semaphore(%arg14 : memref<!tpu.dma_semaphore, #tpu.memory_space<semaphore_mem>>) src(%dma_wait3A_348 : memref<100000xf32, #tpu.memory_space<hbm>>) dst(%dma_wait3A_343 : memref<512xf32, #tpu.memory_space<vmem>>)
    %dma_start3A_349 = arith.constant 3 : i32
    %dma_start3A_350 = arith.constant 3 : i32
    %dma_start3A_351 = arith.constant 0 : i32
    %dma_start3A_352 = tpu.memref_slice %arg8[%dma_start3A_349, %dma_start3A_351] : memref<16x512xf32, #tpu.memory_space<vmem>> -> memref<1x512xf32, #tpu.memory_space<vmem>>
    %dma_start3A_353 = tpu.memref_squeeze %dma_start3A_352 : memref<1x512xf32, #tpu.memory_space<vmem>> -> memref<512xf32, #tpu.memory_space<vmem>>
    %dma_start3A_354 = tpu.memref_slice %arg6[%dma_start3A_350, %mul3A_2] : memref<16x16384xf32, #tpu.memory_space<hbm>> -> memref<1x512xf32, #tpu.memory_space<hbm>>
    %dma_start3A_355 = tpu.memref_squeeze %dma_start3A_354 : memref<1x512xf32, #tpu.memory_space<hbm>> -> memref<512xf32, #tpu.memory_space<hbm>>
    %dma_start3A_356 = tpu.memref_slice %arg6[%dma_start3A_350, %mul3A_2] : memref<16x16384xf32, #tpu.memory_space<hbm>> -> memref<1x512xf32, #tpu.memory_space<hbm>>
    %dma_start3A_357 = tpu.memref_squeeze %dma_start3A_356 : memref<1x512xf32, #tpu.memory_space<hbm>> -> memref<512xf32, #tpu.memory_space<hbm>>
    %dma_start3A_358 = arith.constant 0 : i32
    %dma_start3A_359 = tpu.memref_slice %arg8[%dma_start3A_349, %dma_start3A_358] : memref<16x512xf32, #tpu.memory_space<vmem>> -> memref<1x512xf32, #tpu.memory_space<vmem>>
    %dma_start3A_360 = tpu.memref_squeeze %dma_start3A_359 : memref<1x512xf32, #tpu.memory_space<vmem>> -> memref<512xf32, #tpu.memory_space<vmem>>
    tpu.enqueue_dma source(%dma_start3A_360 : memref<512xf32, #tpu.memory_space<vmem>>) target(%dma_start3A_357 : memref<512xf32, #tpu.memory_space<hbm>>) target_semaphore(%arg15 : memref<!tpu.dma_semaphore, #tpu.memory_space<semaphore_mem>>)
    %dma_wait3A_361 = arith.constant 4 : i32
    %dma_wait3A_362 = arith.constant 4 : i32
    %dma_wait3A_363 = arith.constant 0 : i32
    %dma_wait3A_364 = tpu.memref_slice %arg8[%dma_wait3A_362, %dma_wait3A_363] : memref<16x512xf32, #tpu.memory_space<vmem>> -> memref<1x512xf32, #tpu.memory_space<vmem>>
    %dma_wait3A_365 = tpu.memref_squeeze %dma_wait3A_364 : memref<1x512xf32, #tpu.memory_space<vmem>> -> memref<512xf32, #tpu.memory_space<vmem>>
    %dma_wait3A_366 = arith.constant 0 : i32
    %dma_wait3A_367 = tpu.memref_slice %arg4[%dma_wait3A_361, %dma_wait3A_366] : memref<16x100000xf32, #tpu.memory_space<hbm>> -> memref<1x100000xf32, #tpu.memory_space<hbm>>
    %dma_wait3A_368 = tpu.memref_squeeze %dma_wait3A_367 : memref<1x100000xf32, #tpu.memory_space<hbm>> -> memref<100000xf32, #tpu.memory_space<hbm>>
    %dma_wait3A_369 = arith.constant 0 : i32
    %dma_wait3A_370 = tpu.memref_slice %dma_wait3A_368[%dma_wait3A_369] : memref<100000xf32, #tpu.memory_space<hbm>> -> memref<100000xf32, #tpu.memory_space<hbm>>
    tpu.wait_indirect_dma semaphore(%arg14 : memref<!tpu.dma_semaphore, #tpu.memory_space<semaphore_mem>>) src(%dma_wait3A_370 : memref<100000xf32, #tpu.memory_space<hbm>>) dst(%dma_wait3A_365 : memref<512xf32, #tpu.memory_space<vmem>>)
    %dma_start3A_371 = arith.constant 4 : i32
    %dma_start3A_372 = arith.constant 4 : i32
    %dma_start3A_373 = arith.constant 0 : i32
    %dma_start3A_374 = tpu.memref_slice %arg8[%dma_start3A_371, %dma_start3A_373] : memref<16x512xf32, #tpu.memory_space<vmem>> -> memref<1x512xf32, #tpu.memory_space<vmem>>
    %dma_start3A_375 = tpu.memref_squeeze %dma_start3A_374 : memref<1x512xf32, #tpu.memory_space<vmem>> -> memref<512xf32, #tpu.memory_space<vmem>>
    %dma_start3A_376 = tpu.memref_slice %arg6[%dma_start3A_372, %mul3A_2] : memref<16x16384xf32, #tpu.memory_space<hbm>> -> memref<1x512xf32, #tpu.memory_space<hbm>>
    %dma_start3A_377 = tpu.memref_squeeze %dma_start3A_376 : memref<1x512xf32, #tpu.memory_space<hbm>> -> memref<512xf32, #tpu.memory_space<hbm>>
    %dma_start3A_378 = tpu.memref_slice %arg6[%dma_start3A_372, %mul3A_2] : memref<16x16384xf32, #tpu.memory_space<hbm>> -> memref<1x512xf32, #tpu.memory_space<hbm>>
    %dma_start3A_379 = tpu.memref_squeeze %dma_start3A_378 : memref<1x512xf32, #tpu.memory_space<hbm>> -> memref<512xf32, #tpu.memory_space<hbm>>
    %dma_start3A_380 = arith.constant 0 : i32
    %dma_start3A_381 = tpu.memref_slice %arg8[%dma_start3A_371, %dma_start3A_380] : memref<16x512xf32, #tpu.memory_space<vmem>> -> memref<1x512xf32, #tpu.memory_space<vmem>>
    %dma_start3A_382 = tpu.memref_squeeze %dma_start3A_381 : memref<1x512xf32, #tpu.memory_space<vmem>> -> memref<512xf32, #tpu.memory_space<vmem>>
    tpu.enqueue_dma source(%dma_start3A_382 : memref<512xf32, #tpu.memory_space<vmem>>) target(%dma_start3A_379 : memref<512xf32, #tpu.memory_space<hbm>>) target_semaphore(%arg15 : memref<!tpu.dma_semaphore, #tpu.memory_space<semaphore_mem>>)
    %dma_wait3A_383 = arith.constant 5 : i32
    %dma_wait3A_384 = arith.constant 5 : i32
    %dma_wait3A_385 = arith.constant 0 : i32
    %dma_wait3A_386 = tpu.memref_slice %arg8[%dma_wait3A_384, %dma_wait3A_385] : memref<16x512xf32, #tpu.memory_space<vmem>> -> memref<1x512xf32, #tpu.memory_space<vmem>>
    %dma_wait3A_387 = tpu.memref_squeeze %dma_wait3A_386 : memref<1x512xf32, #tpu.memory_space<vmem>> -> memref<512xf32, #tpu.memory_space<vmem>>
    %dma_wait3A_388 = arith.constant 0 : i32
    %dma_wait3A_389 = tpu.memref_slice %arg4[%dma_wait3A_383, %dma_wait3A_388] : memref<16x100000xf32, #tpu.memory_space<hbm>> -> memref<1x100000xf32, #tpu.memory_space<hbm>>
    %dma_wait3A_390 = tpu.memref_squeeze %dma_wait3A_389 : memref<1x100000xf32, #tpu.memory_space<hbm>> -> memref<100000xf32, #tpu.memory_space<hbm>>
    %dma_wait3A_391 = arith.constant 0 : i32
    %dma_wait3A_392 = tpu.memref_slice %dma_wait3A_390[%dma_wait3A_391] : memref<100000xf32, #tpu.memory_space<hbm>> -> memref<100000xf32, #tpu.memory_space<hbm>>
    tpu.wait_indirect_dma semaphore(%arg14 : memref<!tpu.dma_semaphore, #tpu.memory_space<semaphore_mem>>) src(%dma_wait3A_392 : memref<100000xf32, #tpu.memory_space<hbm>>) dst(%dma_wait3A_387 : memref<512xf32, #tpu.memory_space<vmem>>)
    %dma_start3A_393 = arith.constant 5 : i32
    %dma_start3A_394 = arith.constant 5 : i32
    %dma_start3A_395 = arith.constant 0 : i32
    %dma_start3A_396 = tpu.memref_slice %arg8[%dma_start3A_393, %dma_start3A_395] : memref<16x512xf32, #tpu.memory_space<vmem>> -> memref<1x512xf32, #tpu.memory_space<vmem>>
    %dma_start3A_397 = tpu.memref_squeeze %dma_start3A_396 : memref<1x512xf32, #tpu.memory_space<vmem>> -> memref<512xf32, #tpu.memory_space<vmem>>
    %dma_start3A_398 = tpu.memref_slice %arg6[%dma_start3A_394, %mul3A_2] : memref<16x16384xf32, #tpu.memory_space<hbm>> -> memref<1x512xf32, #tpu.memory_space<hbm>>
    %dma_start3A_399 = tpu.memref_squeeze %dma_start3A_398 : memref<1x512xf32, #tpu.memory_space<hbm>> -> memref<512xf32, #tpu.memory_space<hbm>>
    %dma_start3A_400 = tpu.memref_slice %arg6[%dma_start3A_394, %mul3A_2] : memref<16x16384xf32, #tpu.memory_space<hbm>> -> memref<1x512xf32, #tpu.memory_space<hbm>>
    %dma_start3A_401 = tpu.memref_squeeze %dma_start3A_400 : memref<1x512xf32, #tpu.memory_space<hbm>> -> memref<512xf32, #tpu.memory_space<hbm>>
    %dma_start3A_402 = arith.constant 0 : i32
    %dma_start3A_403 = tpu.memref_slice %arg8[%dma_start3A_393, %dma_start3A_402] : memref<16x512xf32, #tpu.memory_space<vmem>> -> memref<1x512xf32, #tpu.memory_space<vmem>>
    %dma_start3A_404 = tpu.memref_squeeze %dma_start3A_403 : memref<1x512xf32, #tpu.memory_space<vmem>> -> memref<512xf32, #tpu.memory_space<vmem>>
    tpu.enqueue_dma source(%dma_start3A_404 : memref<512xf32, #tpu.memory_space<vmem>>) target(%dma_start3A_401 : memref<512xf32, #tpu.memory_space<hbm>>) target_semaphore(%arg15 : memref<!tpu.dma_semaphore, #tpu.memory_space<semaphore_mem>>)
    %dma_wait3A_405 = arith.constant 6 : i32
    %dma_wait3A_406 = arith.constant 6 : i32
    %dma_wait3A_407 = arith.constant 0 : i32
    %dma_wait3A_408 = tpu.memref_slice %arg8[%dma_wait3A_406, %dma_wait3A_407] : memref<16x512xf32, #tpu.memory_space<vmem>> -> memref<1x512xf32, #tpu.memory_space<vmem>>
    %dma_wait3A_409 = tpu.memref_squeeze %dma_wait3A_408 : memref<1x512xf32, #tpu.memory_space<vmem>> -> memref<512xf32, #tpu.memory_space<vmem>>
    %dma_wait3A_410 = arith.constant 0 : i32
    %dma_wait3A_411 = tpu.memref_slice %arg4[%dma_wait3A_405, %dma_wait3A_410] : memref<16x100000xf32, #tpu.memory_space<hbm>> -> memref<1x100000xf32, #tpu.memory_space<hbm>>
    %dma_wait3A_412 = tpu.memref_squeeze %dma_wait3A_411 : memref<1x100000xf32, #tpu.memory_space<hbm>> -> memref<100000xf32, #tpu.memory_space<hbm>>
    %dma_wait3A_413 = arith.constant 0 : i32
    %dma_wait3A_414 = tpu.memref_slice %dma_wait3A_412[%dma_wait3A_413] : memref<100000xf32, #tpu.memory_space<hbm>> -> memref<100000xf32, #tpu.memory_space<hbm>>
    tpu.wait_indirect_dma semaphore(%arg14 : memref<!tpu.dma_semaphore, #tpu.memory_space<semaphore_mem>>) src(%dma_wait3A_414 : memref<100000xf32, #tpu.memory_space<hbm>>) dst(%dma_wait3A_409 : memref<512xf32, #tpu.memory_space<vmem>>)
    %dma_start3A_415 = arith.constant 6 : i32
    %dma_start3A_416 = arith.constant 6 : i32
    %dma_start3A_417 = arith.constant 0 : i32
    %dma_start3A_418 = tpu.memref_slice %arg8[%dma_start3A_415, %dma_start3A_417] : memref<16x512xf32, #tpu.memory_space<vmem>> -> memref<1x512xf32, #tpu.memory_space<vmem>>
    %dma_start3A_419 = tpu.memref_squeeze %dma_start3A_418 : memref<1x512xf32, #tpu.memory_space<vmem>> -> memref<512xf32, #tpu.memory_space<vmem>>
    %dma_start3A_420 = tpu.memref_slice %arg6[%dma_start3A_416, %mul3A_2] : memref<16x16384xf32, #tpu.memory_space<hbm>> -> memref<1x512xf32, #tpu.memory_space<hbm>>
    %dma_start3A_421 = tpu.memref_squeeze %dma_start3A_420 : memref<1x512xf32, #tpu.memory_space<hbm>> -> memref<512xf32, #tpu.memory_space<hbm>>
    %dma_start3A_422 = tpu.memref_slice %arg6[%dma_start3A_416, %mul3A_2] : memref<16x16384xf32, #tpu.memory_space<hbm>> -> memref<1x512xf32, #tpu.memory_space<hbm>>
    %dma_start3A_423 = tpu.memref_squeeze %dma_start3A_422 : memref<1x512xf32, #tpu.memory_space<hbm>> -> memref<512xf32, #tpu.memory_space<hbm>>
    %dma_start3A_424 = arith.constant 0 : i32
    %dma_start3A_425 = tpu.memref_slice %arg8[%dma_start3A_415, %dma_start3A_424] : memref<16x512xf32, #tpu.memory_space<vmem>> -> memref<1x512xf32, #tpu.memory_space<vmem>>
    %dma_start3A_426 = tpu.memref_squeeze %dma_start3A_425 : memref<1x512xf32, #tpu.memory_space<vmem>> -> memref<512xf32, #tpu.memory_space<vmem>>
    tpu.enqueue_dma source(%dma_start3A_426 : memref<512xf32, #tpu.memory_space<vmem>>) target(%dma_start3A_423 : memref<512xf32, #tpu.memory_space<hbm>>) target_semaphore(%arg15 : memref<!tpu.dma_semaphore, #tpu.memory_space<semaphore_mem>>)
    %dma_wait3A_427 = arith.constant 7 : i32
    %dma_wait3A_428 = arith.constant 7 : i32
    %dma_wait3A_429 = arith.constant 0 : i32
    %dma_wait3A_430 = tpu.memref_slice %arg8[%dma_wait3A_428, %dma_wait3A_429] : memref<16x512xf32, #tpu.memory_space<vmem>> -> memref<1x512xf32, #tpu.memory_space<vmem>>
    %dma_wait3A_431 = tpu.memref_squeeze %dma_wait3A_430 : memref<1x512xf32, #tpu.memory_space<vmem>> -> memref<512xf32, #tpu.memory_space<vmem>>
    %dma_wait3A_432 = arith.constant 0 : i32
    %dma_wait3A_433 = tpu.memref_slice %arg4[%dma_wait3A_427, %dma_wait3A_432] : memref<16x100000xf32, #tpu.memory_space<hbm>> -> memref<1x100000xf32, #tpu.memory_space<hbm>>
    %dma_wait3A_434 = tpu.memref_squeeze %dma_wait3A_433 : memref<1x100000xf32, #tpu.memory_space<hbm>> -> memref<100000xf32, #tpu.memory_space<hbm>>
    %dma_wait3A_435 = arith.constant 0 : i32
    %dma_wait3A_436 = tpu.memref_slice %dma_wait3A_434[%dma_wait3A_435] : memref<100000xf32, #tpu.memory_space<hbm>> -> memref<100000xf32, #tpu.memory_space<hbm>>
    tpu.wait_indirect_dma semaphore(%arg14 : memref<!tpu.dma_semaphore, #tpu.memory_space<semaphore_mem>>) src(%dma_wait3A_436 : memref<100000xf32, #tpu.memory_space<hbm>>) dst(%dma_wait3A_431 : memref<512xf32, #tpu.memory_space<vmem>>)
    %dma_start3A_437 = arith.constant 7 : i32
    %dma_start3A_438 = arith.constant 7 : i32
    %dma_start3A_439 = arith.constant 0 : i32
    %dma_start3A_440 = tpu.memref_slice %arg8[%dma_start3A_437, %dma_start3A_439] : memref<16x512xf32, #tpu.memory_space<vmem>> -> memref<1x512xf32, #tpu.memory_space<vmem>>
    %dma_start3A_441 = tpu.memref_squeeze %dma_start3A_440 : memref<1x512xf32, #tpu.memory_space<vmem>> -> memref<512xf32, #tpu.memory_space<vmem>>
    %dma_start3A_442 = tpu.memref_slice %arg6[%dma_start3A_438, %mul3A_2] : memref<16x16384xf32, #tpu.memory_space<hbm>> -> memref<1x512xf32, #tpu.memory_space<hbm>>
    %dma_start3A_443 = tpu.memref_squeeze %dma_start3A_442 : memref<1x512xf32, #tpu.memory_space<hbm>> -> memref<512xf32, #tpu.memory_space<hbm>>
    %dma_start3A_444 = tpu.memref_slice %arg6[%dma_start3A_438, %mul3A_2] : memref<16x16384xf32, #tpu.memory_space<hbm>> -> memref<1x512xf32, #tpu.memory_space<hbm>>
    %dma_start3A_445 = tpu.memref_squeeze %dma_start3A_444 : memref<1x512xf32, #tpu.memory_space<hbm>> -> memref<512xf32, #tpu.memory_space<hbm>>
    %dma_start3A_446 = arith.constant 0 : i32
    %dma_start3A_447 = tpu.memref_slice %arg8[%dma_start3A_437, %dma_start3A_446] : memref<16x512xf32, #tpu.memory_space<vmem>> -> memref<1x512xf32, #tpu.memory_space<vmem>>
    %dma_start3A_448 = tpu.memref_squeeze %dma_start3A_447 : memref<1x512xf32, #tpu.memory_space<vmem>> -> memref<512xf32, #tpu.memory_space<vmem>>
    tpu.enqueue_dma source(%dma_start3A_448 : memref<512xf32, #tpu.memory_space<vmem>>) target(%dma_start3A_445 : memref<512xf32, #tpu.memory_space<hbm>>) target_semaphore(%arg15 : memref<!tpu.dma_semaphore, #tpu.memory_space<semaphore_mem>>)
    %dma_wait3A_449 = arith.constant 8 : i32
    %dma_wait3A_450 = arith.constant 8 : i32
    %dma_wait3A_451 = arith.constant 0 : i32
    %dma_wait3A_452 = tpu.memref_slice %arg8[%dma_wait3A_450, %dma_wait3A_451] : memref<16x512xf32, #tpu.memory_space<vmem>> -> memref<1x512xf32, #tpu.memory_space<vmem>>
    %dma_wait3A_453 = tpu.memref_squeeze %dma_wait3A_452 : memref<1x512xf32, #tpu.memory_space<vmem>> -> memref<512xf32, #tpu.memory_space<vmem>>
    %dma_wait3A_454 = arith.constant 0 : i32
    %dma_wait3A_455 = tpu.memref_slice %arg4[%dma_wait3A_449, %dma_wait3A_454] : memref<16x100000xf32, #tpu.memory_space<hbm>> -> memref<1x100000xf32, #tpu.memory_space<hbm>>
    %dma_wait3A_456 = tpu.memref_squeeze %dma_wait3A_455 : memref<1x100000xf32, #tpu.memory_space<hbm>> -> memref<100000xf32, #tpu.memory_space<hbm>>
    %dma_wait3A_457 = arith.constant 0 : i32
    %dma_wait3A_458 = tpu.memref_slice %dma_wait3A_456[%dma_wait3A_457] : memref<100000xf32, #tpu.memory_space<hbm>> -> memref<100000xf32, #tpu.memory_space<hbm>>
    tpu.wait_indirect_dma semaphore(%arg14 : memref<!tpu.dma_semaphore, #tpu.memory_space<semaphore_mem>>) src(%dma_wait3A_458 : memref<100000xf32, #tpu.memory_space<hbm>>) dst(%dma_wait3A_453 : memref<512xf32, #tpu.memory_space<vmem>>)
    %dma_start3A_459 = arith.constant 8 : i32
    %dma_start3A_460 = arith.constant 8 : i32
    %dma_start3A_461 = arith.constant 0 : i32
    %dma_start3A_462 = tpu.memref_slice %arg8[%dma_start3A_459, %dma_start3A_461] : memref<16x512xf32, #tpu.memory_space<vmem>> -> memref<1x512xf32, #tpu.memory_space<vmem>>
    %dma_start3A_463 = tpu.memref_squeeze %dma_start3A_462 : memref<1x512xf32, #tpu.memory_space<vmem>> -> memref<512xf32, #tpu.memory_space<vmem>>
    %dma_start3A_464 = tpu.memref_slice %arg6[%dma_start3A_460, %mul3A_2] : memref<16x16384xf32, #tpu.memory_space<hbm>> -> memref<1x512xf32, #tpu.memory_space<hbm>>
    %dma_start3A_465 = tpu.memref_squeeze %dma_start3A_464 : memref<1x512xf32, #tpu.memory_space<hbm>> -> memref<512xf32, #tpu.memory_space<hbm>>
    %dma_start3A_466 = tpu.memref_slice %arg6[%dma_start3A_460, %mul3A_2] : memref<16x16384xf32, #tpu.memory_space<hbm>> -> memref<1x512xf32, #tpu.memory_space<hbm>>
    %dma_start3A_467 = tpu.memref_squeeze %dma_start3A_466 : memref<1x512xf32, #tpu.memory_space<hbm>> -> memref<512xf32, #tpu.memory_space<hbm>>
    %dma_start3A_468 = arith.constant 0 : i32
    %dma_start3A_469 = tpu.memref_slice %arg8[%dma_start3A_459, %dma_start3A_468] : memref<16x512xf32, #tpu.memory_space<vmem>> -> memref<1x512xf32, #tpu.memory_space<vmem>>
    %dma_start3A_470 = tpu.memref_squeeze %dma_start3A_469 : memref<1x512xf32, #tpu.memory_space<vmem>> -> memref<512xf32, #tpu.memory_space<vmem>>
    tpu.enqueue_dma source(%dma_start3A_470 : memref<512xf32, #tpu.memory_space<vmem>>) target(%dma_start3A_467 : memref<512xf32, #tpu.memory_space<hbm>>) target_semaphore(%arg15 : memref<!tpu.dma_semaphore, #tpu.memory_space<semaphore_mem>>)
    %dma_wait3A_471 = arith.constant 9 : i32
    %dma_wait3A_472 = arith.constant 9 : i32
    %dma_wait3A_473 = arith.constant 0 : i32
    %dma_wait3A_474 = tpu.memref_slice %arg8[%dma_wait3A_472, %dma_wait3A_473] : memref<16x512xf32, #tpu.memory_space<vmem>> -> memref<1x512xf32, #tpu.memory_space<vmem>>
    %dma_wait3A_475 = tpu.memref_squeeze %dma_wait3A_474 : memref<1x512xf32, #tpu.memory_space<vmem>> -> memref<512xf32, #tpu.memory_space<vmem>>
    %dma_wait3A_476 = arith.constant 0 : i32
    %dma_wait3A_477 = tpu.memref_slice %arg4[%dma_wait3A_471, %dma_wait3A_476] : memref<16x100000xf32, #tpu.memory_space<hbm>> -> memref<1x100000xf32, #tpu.memory_space<hbm>>
    %dma_wait3A_478 = tpu.memref_squeeze %dma_wait3A_477 : memref<1x100000xf32, #tpu.memory_space<hbm>> -> memref<100000xf32, #tpu.memory_space<hbm>>
    %dma_wait3A_479 = arith.constant 0 : i32
    %dma_wait3A_480 = tpu.memref_slice %dma_wait3A_478[%dma_wait3A_479] : memref<100000xf32, #tpu.memory_space<hbm>> -> memref<100000xf32, #tpu.memory_space<hbm>>
    tpu.wait_indirect_dma semaphore(%arg14 : memref<!tpu.dma_semaphore, #tpu.memory_space<semaphore_mem>>) src(%dma_wait3A_480 : memref<100000xf32, #tpu.memory_space<hbm>>) dst(%dma_wait3A_475 : memref<512xf32, #tpu.memory_space<vmem>>)
    %dma_start3A_481 = arith.constant 9 : i32
    %dma_start3A_482 = arith.constant 9 : i32
    %dma_start3A_483 = arith.constant 0 : i32
    %dma_start3A_484 = tpu.memref_slice %arg8[%dma_start3A_481, %dma_start3A_483] : memref<16x512xf32, #tpu.memory_space<vmem>> -> memref<1x512xf32, #tpu.memory_space<vmem>>
    %dma_start3A_485 = tpu.memref_squeeze %dma_start3A_484 : memref<1x512xf32, #tpu.memory_space<vmem>> -> memref<512xf32, #tpu.memory_space<vmem>>
    %dma_start3A_486 = tpu.memref_slice %arg6[%dma_start3A_482, %mul3A_2] : memref<16x16384xf32, #tpu.memory_space<hbm>> -> memref<1x512xf32, #tpu.memory_space<hbm>>
    %dma_start3A_487 = tpu.memref_squeeze %dma_start3A_486 : memref<1x512xf32, #tpu.memory_space<hbm>> -> memref<512xf32, #tpu.memory_space<hbm>>
    %dma_start3A_488 = tpu.memref_slice %arg6[%dma_start3A_482, %mul3A_2] : memref<16x16384xf32, #tpu.memory_space<hbm>> -> memref<1x512xf32, #tpu.memory_space<hbm>>
    %dma_start3A_489 = tpu.memref_squeeze %dma_start3A_488 : memref<1x512xf32, #tpu.memory_space<hbm>> -> memref<512xf32, #tpu.memory_space<hbm>>
    %dma_start3A_490 = arith.constant 0 : i32
    %dma_start3A_491 = tpu.memref_slice %arg8[%dma_start3A_481, %dma_start3A_490] : memref<16x512xf32, #tpu.memory_space<vmem>> -> memref<1x512xf32, #tpu.memory_space<vmem>>
    %dma_start3A_492 = tpu.memref_squeeze %dma_start3A_491 : memref<1x512xf32, #tpu.memory_space<vmem>> -> memref<512xf32, #tpu.memory_space<vmem>>
    tpu.enqueue_dma source(%dma_start3A_492 : memref<512xf32, #tpu.memory_space<vmem>>) target(%dma_start3A_489 : memref<512xf32, #tpu.memory_space<hbm>>) target_semaphore(%arg15 : memref<!tpu.dma_semaphore, #tpu.memory_space<semaphore_mem>>)
    %dma_wait3A_493 = arith.constant 10 : i32
    %dma_wait3A_494 = arith.constant 10 : i32
    %dma_wait3A_495 = arith.constant 0 : i32
    %dma_wait3A_496 = tpu.memref_slice %arg8[%dma_wait3A_494, %dma_wait3A_495] : memref<16x512xf32, #tpu.memory_space<vmem>> -> memref<1x512xf32, #tpu.memory_space<vmem>>
    %dma_wait3A_497 = tpu.memref_squeeze %dma_wait3A_496 : memref<1x512xf32, #tpu.memory_space<vmem>> -> memref<512xf32, #tpu.memory_space<vmem>>
    %dma_wait3A_498 = arith.constant 0 : i32
    %dma_wait3A_499 = tpu.memref_slice %arg4[%dma_wait3A_493, %dma_wait3A_498] : memref<16x100000xf32, #tpu.memory_space<hbm>> -> memref<1x100000xf32, #tpu.memory_space<hbm>>
    %dma_wait3A_500 = tpu.memref_squeeze %dma_wait3A_499 : memref<1x100000xf32, #tpu.memory_space<hbm>> -> memref<100000xf32, #tpu.memory_space<hbm>>
    %dma_wait3A_501 = arith.constant 0 : i32
    %dma_wait3A_502 = tpu.memref_slice %dma_wait3A_500[%dma_wait3A_501] : memref<100000xf32, #tpu.memory_space<hbm>> -> memref<100000xf32, #tpu.memory_space<hbm>>
    tpu.wait_indirect_dma semaphore(%arg14 : memref<!tpu.dma_semaphore, #tpu.memory_space<semaphore_mem>>) src(%dma_wait3A_502 : memref<100000xf32, #tpu.memory_space<hbm>>) dst(%dma_wait3A_497 : memref<512xf32, #tpu.memory_space<vmem>>)
    %dma_start3A_503 = arith.constant 10 : i32
    %dma_start3A_504 = arith.constant 10 : i32
    %dma_start3A_505 = arith.constant 0 : i32
    %dma_start3A_506 = tpu.memref_slice %arg8[%dma_start3A_503, %dma_start3A_505] : memref<16x512xf32, #tpu.memory_space<vmem>> -> memref<1x512xf32, #tpu.memory_space<vmem>>
    %dma_start3A_507 = tpu.memref_squeeze %dma_start3A_506 : memref<1x512xf32, #tpu.memory_space<vmem>> -> memref<512xf32, #tpu.memory_space<vmem>>
    %dma_start3A_508 = tpu.memref_slice %arg6[%dma_start3A_504, %mul3A_2] : memref<16x16384xf32, #tpu.memory_space<hbm>> -> memref<1x512xf32, #tpu.memory_space<hbm>>
    %dma_start3A_509 = tpu.memref_squeeze %dma_start3A_508 : memref<1x512xf32, #tpu.memory_space<hbm>> -> memref<512xf32, #tpu.memory_space<hbm>>
    %dma_start3A_510 = tpu.memref_slice %arg6[%dma_start3A_504, %mul3A_2] : memref<16x16384xf32, #tpu.memory_space<hbm>> -> memref<1x512xf32, #tpu.memory_space<hbm>>
    %dma_start3A_511 = tpu.memref_squeeze %dma_start3A_510 : memref<1x512xf32, #tpu.memory_space<hbm>> -> memref<512xf32, #tpu.memory_space<hbm>>
    %dma_start3A_512 = arith.constant 0 : i32
    %dma_start3A_513 = tpu.memref_slice %arg8[%dma_start3A_503, %dma_start3A_512] : memref<16x512xf32, #tpu.memory_space<vmem>> -> memref<1x512xf32, #tpu.memory_space<vmem>>
    %dma_start3A_514 = tpu.memref_squeeze %dma_start3A_513 : memref<1x512xf32, #tpu.memory_space<vmem>> -> memref<512xf32, #tpu.memory_space<vmem>>
    tpu.enqueue_dma source(%dma_start3A_514 : memref<512xf32, #tpu.memory_space<vmem>>) target(%dma_start3A_511 : memref<512xf32, #tpu.memory_space<hbm>>) target_semaphore(%arg15 : memref<!tpu.dma_semaphore, #tpu.memory_space<semaphore_mem>>)
    %dma_wait3A_515 = arith.constant 11 : i32
    %dma_wait3A_516 = arith.constant 11 : i32
    %dma_wait3A_517 = arith.constant 0 : i32
    %dma_wait3A_518 = tpu.memref_slice %arg8[%dma_wait3A_516, %dma_wait3A_517] : memref<16x512xf32, #tpu.memory_space<vmem>> -> memref<1x512xf32, #tpu.memory_space<vmem>>
    %dma_wait3A_519 = tpu.memref_squeeze %dma_wait3A_518 : memref<1x512xf32, #tpu.memory_space<vmem>> -> memref<512xf32, #tpu.memory_space<vmem>>
    %dma_wait3A_520 = arith.constant 0 : i32
    %dma_wait3A_521 = tpu.memref_slice %arg4[%dma_wait3A_515, %dma_wait3A_520] : memref<16x100000xf32, #tpu.memory_space<hbm>> -> memref<1x100000xf32, #tpu.memory_space<hbm>>
    %dma_wait3A_522 = tpu.memref_squeeze %dma_wait3A_521 : memref<1x100000xf32, #tpu.memory_space<hbm>> -> memref<100000xf32, #tpu.memory_space<hbm>>
    %dma_wait3A_523 = arith.constant 0 : i32
    %dma_wait3A_524 = tpu.memref_slice %dma_wait3A_522[%dma_wait3A_523] : memref<100000xf32, #tpu.memory_space<hbm>> -> memref<100000xf32, #tpu.memory_space<hbm>>
    tpu.wait_indirect_dma semaphore(%arg14 : memref<!tpu.dma_semaphore, #tpu.memory_space<semaphore_mem>>) src(%dma_wait3A_524 : memref<100000xf32, #tpu.memory_space<hbm>>) dst(%dma_wait3A_519 : memref<512xf32, #tpu.memory_space<vmem>>)
    %dma_start3A_525 = arith.constant 11 : i32
    %dma_start3A_526 = arith.constant 11 : i32
    %dma_start3A_527 = arith.constant 0 : i32
    %dma_start3A_528 = tpu.memref_slice %arg8[%dma_start3A_525, %dma_start3A_527] : memref<16x512xf32, #tpu.memory_space<vmem>> -> memref<1x512xf32, #tpu.memory_space<vmem>>
    %dma_start3A_529 = tpu.memref_squeeze %dma_start3A_528 : memref<1x512xf32, #tpu.memory_space<vmem>> -> memref<512xf32, #tpu.memory_space<vmem>>
    %dma_start3A_530 = tpu.memref_slice %arg6[%dma_start3A_526, %mul3A_2] : memref<16x16384xf32, #tpu.memory_space<hbm>> -> memref<1x512xf32, #tpu.memory_space<hbm>>
    %dma_start3A_531 = tpu.memref_squeeze %dma_start3A_530 : memref<1x512xf32, #tpu.memory_space<hbm>> -> memref<512xf32, #tpu.memory_space<hbm>>
    %dma_start3A_532 = tpu.memref_slice %arg6[%dma_start3A_526, %mul3A_2] : memref<16x16384xf32, #tpu.memory_space<hbm>> -> memref<1x512xf32, #tpu.memory_space<hbm>>
    %dma_start3A_533 = tpu.memref_squeeze %dma_start3A_532 : memref<1x512xf32, #tpu.memory_space<hbm>> -> memref<512xf32, #tpu.memory_space<hbm>>
    %dma_start3A_534 = arith.constant 0 : i32
    %dma_start3A_535 = tpu.memref_slice %arg8[%dma_start3A_525, %dma_start3A_534] : memref<16x512xf32, #tpu.memory_space<vmem>> -> memref<1x512xf32, #tpu.memory_space<vmem>>
    %dma_start3A_536 = tpu.memref_squeeze %dma_start3A_535 : memref<1x512xf32, #tpu.memory_space<vmem>> -> memref<512xf32, #tpu.memory_space<vmem>>
    tpu.enqueue_dma source(%dma_start3A_536 : memref<512xf32, #tpu.memory_space<vmem>>) target(%dma_start3A_533 : memref<512xf32, #tpu.memory_space<hbm>>) target_semaphore(%arg15 : memref<!tpu.dma_semaphore, #tpu.memory_space<semaphore_mem>>)
    %dma_wait3A_537 = arith.constant 12 : i32
    %dma_wait3A_538 = arith.constant 12 : i32
    %dma_wait3A_539 = arith.constant 0 : i32
    %dma_wait3A_540 = tpu.memref_slice %arg8[%dma_wait3A_538, %dma_wait3A_539] : memref<16x512xf32, #tpu.memory_space<vmem>> -> memref<1x512xf32, #tpu.memory_space<vmem>>
    %dma_wait3A_541 = tpu.memref_squeeze %dma_wait3A_540 : memref<1x512xf32, #tpu.memory_space<vmem>> -> memref<512xf32, #tpu.memory_space<vmem>>
    %dma_wait3A_542 = arith.constant 0 : i32
    %dma_wait3A_543 = tpu.memref_slice %arg4[%dma_wait3A_537, %dma_wait3A_542] : memref<16x100000xf32, #tpu.memory_space<hbm>> -> memref<1x100000xf32, #tpu.memory_space<hbm>>
    %dma_wait3A_544 = tpu.memref_squeeze %dma_wait3A_543 : memref<1x100000xf32, #tpu.memory_space<hbm>> -> memref<100000xf32, #tpu.memory_space<hbm>>
    %dma_wait3A_545 = arith.constant 0 : i32
    %dma_wait3A_546 = tpu.memref_slice %dma_wait3A_544[%dma_wait3A_545] : memref<100000xf32, #tpu.memory_space<hbm>> -> memref<100000xf32, #tpu.memory_space<hbm>>
    tpu.wait_indirect_dma semaphore(%arg14 : memref<!tpu.dma_semaphore, #tpu.memory_space<semaphore_mem>>) src(%dma_wait3A_546 : memref<100000xf32, #tpu.memory_space<hbm>>) dst(%dma_wait3A_541 : memref<512xf32, #tpu.memory_space<vmem>>)
    %dma_start3A_547 = arith.constant 12 : i32
    %dma_start3A_548 = arith.constant 12 : i32
    %dma_start3A_549 = arith.constant 0 : i32
    %dma_start3A_550 = tpu.memref_slice %arg8[%dma_start3A_547, %dma_start3A_549] : memref<16x512xf32, #tpu.memory_space<vmem>> -> memref<1x512xf32, #tpu.memory_space<vmem>>
    %dma_start3A_551 = tpu.memref_squeeze %dma_start3A_550 : memref<1x512xf32, #tpu.memory_space<vmem>> -> memref<512xf32, #tpu.memory_space<vmem>>
    %dma_start3A_552 = tpu.memref_slice %arg6[%dma_start3A_548, %mul3A_2] : memref<16x16384xf32, #tpu.memory_space<hbm>> -> memref<1x512xf32, #tpu.memory_space<hbm>>
    %dma_start3A_553 = tpu.memref_squeeze %dma_start3A_552 : memref<1x512xf32, #tpu.memory_space<hbm>> -> memref<512xf32, #tpu.memory_space<hbm>>
    %dma_start3A_554 = tpu.memref_slice %arg6[%dma_start3A_548, %mul3A_2] : memref<16x16384xf32, #tpu.memory_space<hbm>> -> memref<1x512xf32, #tpu.memory_space<hbm>>
    %dma_start3A_555 = tpu.memref_squeeze %dma_start3A_554 : memref<1x512xf32, #tpu.memory_space<hbm>> -> memref<512xf32, #tpu.memory_space<hbm>>
    %dma_start3A_556 = arith.constant 0 : i32
    %dma_start3A_557 = tpu.memref_slice %arg8[%dma_start3A_547, %dma_start3A_556] : memref<16x512xf32, #tpu.memory_space<vmem>> -> memref<1x512xf32, #tpu.memory_space<vmem>>
    %dma_start3A_558 = tpu.memref_squeeze %dma_start3A_557 : memref<1x512xf32, #tpu.memory_space<vmem>> -> memref<512xf32, #tpu.memory_space<vmem>>
    tpu.enqueue_dma source(%dma_start3A_558 : memref<512xf32, #tpu.memory_space<vmem>>) target(%dma_start3A_555 : memref<512xf32, #tpu.memory_space<hbm>>) target_semaphore(%arg15 : memref<!tpu.dma_semaphore, #tpu.memory_space<semaphore_mem>>)
    %dma_wait3A_559 = arith.constant 13 : i32
    %dma_wait3A_560 = arith.constant 13 : i32
    %dma_wait3A_561 = arith.constant 0 : i32
    %dma_wait3A_562 = tpu.memref_slice %arg8[%dma_wait3A_560, %dma_wait3A_561] : memref<16x512xf32, #tpu.memory_space<vmem>> -> memref<1x512xf32, #tpu.memory_space<vmem>>
    %dma_wait3A_563 = tpu.memref_squeeze %dma_wait3A_562 : memref<1x512xf32, #tpu.memory_space<vmem>> -> memref<512xf32, #tpu.memory_space<vmem>>
    %dma_wait3A_564 = arith.constant 0 : i32
    %dma_wait3A_565 = tpu.memref_slice %arg4[%dma_wait3A_559, %dma_wait3A_564] : memref<16x100000xf32, #tpu.memory_space<hbm>> -> memref<1x100000xf32, #tpu.memory_space<hbm>>
    %dma_wait3A_566 = tpu.memref_squeeze %dma_wait3A_565 : memref<1x100000xf32, #tpu.memory_space<hbm>> -> memref<100000xf32, #tpu.memory_space<hbm>>
    %dma_wait3A_567 = arith.constant 0 : i32
    %dma_wait3A_568 = tpu.memref_slice %dma_wait3A_566[%dma_wait3A_567] : memref<100000xf32, #tpu.memory_space<hbm>> -> memref<100000xf32, #tpu.memory_space<hbm>>
    tpu.wait_indirect_dma semaphore(%arg14 : memref<!tpu.dma_semaphore, #tpu.memory_space<semaphore_mem>>) src(%dma_wait3A_568 : memref<100000xf32, #tpu.memory_space<hbm>>) dst(%dma_wait3A_563 : memref<512xf32, #tpu.memory_space<vmem>>)
    %dma_start3A_569 = arith.constant 13 : i32
    %dma_start3A_570 = arith.constant 13 : i32
    %dma_start3A_571 = arith.constant 0 : i32
    %dma_start3A_572 = tpu.memref_slice %arg8[%dma_start3A_569, %dma_start3A_571] : memref<16x512xf32, #tpu.memory_space<vmem>> -> memref<1x512xf32, #tpu.memory_space<vmem>>
    %dma_start3A_573 = tpu.memref_squeeze %dma_start3A_572 : memref<1x512xf32, #tpu.memory_space<vmem>> -> memref<512xf32, #tpu.memory_space<vmem>>
    %dma_start3A_574 = tpu.memref_slice %arg6[%dma_start3A_570, %mul3A_2] : memref<16x16384xf32, #tpu.memory_space<hbm>> -> memref<1x512xf32, #tpu.memory_space<hbm>>
    %dma_start3A_575 = tpu.memref_squeeze %dma_start3A_574 : memref<1x512xf32, #tpu.memory_space<hbm>> -> memref<512xf32, #tpu.memory_space<hbm>>
    %dma_start3A_576 = tpu.memref_slice %arg6[%dma_start3A_570, %mul3A_2] : memref<16x16384xf32, #tpu.memory_space<hbm>> -> memref<1x512xf32, #tpu.memory_space<hbm>>
    %dma_start3A_577 = tpu.memref_squeeze %dma_start3A_576 : memref<1x512xf32, #tpu.memory_space<hbm>> -> memref<512xf32, #tpu.memory_space<hbm>>
    %dma_start3A_578 = arith.constant 0 : i32
    %dma_start3A_579 = tpu.memref_slice %arg8[%dma_start3A_569, %dma_start3A_578] : memref<16x512xf32, #tpu.memory_space<vmem>> -> memref<1x512xf32, #tpu.memory_space<vmem>>
    %dma_start3A_580 = tpu.memref_squeeze %dma_start3A_579 : memref<1x512xf32, #tpu.memory_space<vmem>> -> memref<512xf32, #tpu.memory_space<vmem>>
    tpu.enqueue_dma source(%dma_start3A_580 : memref<512xf32, #tpu.memory_space<vmem>>) target(%dma_start3A_577 : memref<512xf32, #tpu.memory_space<hbm>>) target_semaphore(%arg15 : memref<!tpu.dma_semaphore, #tpu.memory_space<semaphore_mem>>)
    %dma_wait3A_581 = arith.constant 14 : i32
    %dma_wait3A_582 = arith.constant 14 : i32
    %dma_wait3A_583 = arith.constant 0 : i32
    %dma_wait3A_584 = tpu.memref_slice %arg8[%dma_wait3A_582, %dma_wait3A_583] : memref<16x512xf32, #tpu.memory_space<vmem>> -> memref<1x512xf32, #tpu.memory_space<vmem>>
    %dma_wait3A_585 = tpu.memref_squeeze %dma_wait3A_584 : memref<1x512xf32, #tpu.memory_space<vmem>> -> memref<512xf32, #tpu.memory_space<vmem>>
    %dma_wait3A_586 = arith.constant 0 : i32
    %dma_wait3A_587 = tpu.memref_slice %arg4[%dma_wait3A_581, %dma_wait3A_586] : memref<16x100000xf32, #tpu.memory_space<hbm>> -> memref<1x100000xf32, #tpu.memory_space<hbm>>
    %dma_wait3A_588 = tpu.memref_squeeze %dma_wait3A_587 : memref<1x100000xf32, #tpu.memory_space<hbm>> -> memref<100000xf32, #tpu.memory_space<hbm>>
    %dma_wait3A_589 = arith.constant 0 : i32
    %dma_wait3A_590 = tpu.memref_slice %dma_wait3A_588[%dma_wait3A_589] : memref<100000xf32, #tpu.memory_space<hbm>> -> memref<100000xf32, #tpu.memory_space<hbm>>
    tpu.wait_indirect_dma semaphore(%arg14 : memref<!tpu.dma_semaphore, #tpu.memory_space<semaphore_mem>>) src(%dma_wait3A_590 : memref<100000xf32, #tpu.memory_space<hbm>>) dst(%dma_wait3A_585 : memref<512xf32, #tpu.memory_space<vmem>>)
    %dma_start3A_591 = arith.constant 14 : i32
    %dma_start3A_592 = arith.constant 14 : i32
    %dma_start3A_593 = arith.constant 0 : i32
    %dma_start3A_594 = tpu.memref_slice %arg8[%dma_start3A_591, %dma_start3A_593] : memref<16x512xf32, #tpu.memory_space<vmem>> -> memref<1x512xf32, #tpu.memory_space<vmem>>
    %dma_start3A_595 = tpu.memref_squeeze %dma_start3A_594 : memref<1x512xf32, #tpu.memory_space<vmem>> -> memref<512xf32, #tpu.memory_space<vmem>>
    %dma_start3A_596 = tpu.memref_slice %arg6[%dma_start3A_592, %mul3A_2] : memref<16x16384xf32, #tpu.memory_space<hbm>> -> memref<1x512xf32, #tpu.memory_space<hbm>>
    %dma_start3A_597 = tpu.memref_squeeze %dma_start3A_596 : memref<1x512xf32, #tpu.memory_space<hbm>> -> memref<512xf32, #tpu.memory_space<hbm>>
    %dma_start3A_598 = tpu.memref_slice %arg6[%dma_start3A_592, %mul3A_2] : memref<16x16384xf32, #tpu.memory_space<hbm>> -> memref<1x512xf32, #tpu.memory_space<hbm>>
    %dma_start3A_599 = tpu.memref_squeeze %dma_start3A_598 : memref<1x512xf32, #tpu.memory_space<hbm>> -> memref<512xf32, #tpu.memory_space<hbm>>
    %dma_start3A_600 = arith.constant 0 : i32
    %dma_start3A_601 = tpu.memref_slice %arg8[%dma_start3A_591, %dma_start3A_600] : memref<16x512xf32, #tpu.memory_space<vmem>> -> memref<1x512xf32, #tpu.memory_space<vmem>>
    %dma_start3A_602 = tpu.memref_squeeze %dma_start3A_601 : memref<1x512xf32, #tpu.memory_space<vmem>> -> memref<512xf32, #tpu.memory_space<vmem>>
    tpu.enqueue_dma source(%dma_start3A_602 : memref<512xf32, #tpu.memory_space<vmem>>) target(%dma_start3A_599 : memref<512xf32, #tpu.memory_space<hbm>>) target_semaphore(%arg15 : memref<!tpu.dma_semaphore, #tpu.memory_space<semaphore_mem>>)
    %dma_wait3A_603 = arith.constant 15 : i32
    %dma_wait3A_604 = arith.constant 15 : i32
    %dma_wait3A_605 = arith.constant 0 : i32
    %dma_wait3A_606 = tpu.memref_slice %arg8[%dma_wait3A_604, %dma_wait3A_605] : memref<16x512xf32, #tpu.memory_space<vmem>> -> memref<1x512xf32, #tpu.memory_space<vmem>>
    %dma_wait3A_607 = tpu.memref_squeeze %dma_wait3A_606 : memref<1x512xf32, #tpu.memory_space<vmem>> -> memref<512xf32, #tpu.memory_space<vmem>>
    %dma_wait3A_608 = arith.constant 0 : i32
    %dma_wait3A_609 = tpu.memref_slice %arg4[%dma_wait3A_603, %dma_wait3A_608] : memref<16x100000xf32, #tpu.memory_space<hbm>> -> memref<1x100000xf32, #tpu.memory_space<hbm>>
    %dma_wait3A_610 = tpu.memref_squeeze %dma_wait3A_609 : memref<1x100000xf32, #tpu.memory_space<hbm>> -> memref<100000xf32, #tpu.memory_space<hbm>>
    %dma_wait3A_611 = arith.constant 0 : i32
    %dma_wait3A_612 = tpu.memref_slice %dma_wait3A_610[%dma_wait3A_611] : memref<100000xf32, #tpu.memory_space<hbm>> -> memref<100000xf32, #tpu.memory_space<hbm>>
    tpu.wait_indirect_dma semaphore(%arg14 : memref<!tpu.dma_semaphore, #tpu.memory_space<semaphore_mem>>) src(%dma_wait3A_612 : memref<100000xf32, #tpu.memory_space<hbm>>) dst(%dma_wait3A_607 : memref<512xf32, #tpu.memory_space<vmem>>)
    %dma_start3A_613 = arith.constant 15 : i32
    %dma_start3A_614 = arith.constant 15 : i32
    %dma_start3A_615 = arith.constant 0 : i32
    %dma_start3A_616 = tpu.memref_slice %arg8[%dma_start3A_613, %dma_start3A_615] : memref<16x512xf32, #tpu.memory_space<vmem>> -> memref<1x512xf32, #tpu.memory_space<vmem>>
    %dma_start3A_617 = tpu.memref_squeeze %dma_start3A_616 : memref<1x512xf32, #tpu.memory_space<vmem>> -> memref<512xf32, #tpu.memory_space<vmem>>
    %dma_start3A_618 = tpu.memref_slice %arg6[%dma_start3A_614, %mul3A_2] : memref<16x16384xf32, #tpu.memory_space<hbm>> -> memref<1x512xf32, #tpu.memory_space<hbm>>
    %dma_start3A_619 = tpu.memref_squeeze %dma_start3A_618 : memref<1x512xf32, #tpu.memory_space<hbm>> -> memref<512xf32, #tpu.memory_space<hbm>>
    %dma_start3A_620 = tpu.memref_slice %arg6[%dma_start3A_614, %mul3A_2] : memref<16x16384xf32, #tpu.memory_space<hbm>> -> memref<1x512xf32, #tpu.memory_space<hbm>>
    %dma_start3A_621 = tpu.memref_squeeze %dma_start3A_620 : memref<1x512xf32, #tpu.memory_space<hbm>> -> memref<512xf32, #tpu.memory_space<hbm>>
    %dma_start3A_622 = arith.constant 0 : i32
    %dma_start3A_623 = tpu.memref_slice %arg8[%dma_start3A_613, %dma_start3A_622] : memref<16x512xf32, #tpu.memory_space<vmem>> -> memref<1x512xf32, #tpu.memory_space<vmem>>
    %dma_start3A_624 = tpu.memref_squeeze %dma_start3A_623 : memref<1x512xf32, #tpu.memory_space<vmem>> -> memref<512xf32, #tpu.memory_space<vmem>>
    tpu.enqueue_dma source(%dma_start3A_624 : memref<512xf32, #tpu.memory_space<vmem>>) target(%dma_start3A_621 : memref<512xf32, #tpu.memory_space<hbm>>) target_semaphore(%arg15 : memref<!tpu.dma_semaphore, #tpu.memory_space<semaphore_mem>>)
    %dma_wait3A_625 = arith.constant 0 : i32
    %dma_wait3A_626 = arith.constant 0 : i32
    %dma_wait3A_627 = tpu.memref_slice %arg9[%dma_wait3A_625, %dma_wait3A_626] : memref<512x128xf32, #tpu.memory_space<vmem>> -> memref<128x128xf32, #tpu.memory_space<vmem>>
    %dma_wait3A_628 = arith.constant 0 : i32
    %dma_wait3A_629 = tpu.memref_slice %arg5[%add3A_202, %dma_wait3A_628] : memref<16384x128xf32, #tpu.memory_space<hbm>> -> memref<128x128xf32, #tpu.memory_space<hbm>>
    %dma_wait3A_630 = arith.constant 0 : i32
    %dma_wait3A_631 = tpu.memref_slice %arg5[%add3A_202, %dma_wait3A_630] : memref<16384x128xf32, #tpu.memory_space<hbm>> -> memref<128x128xf32, #tpu.memory_space<hbm>>
    %dma_wait3A_632 = arith.constant 0 : i32
    %dma_wait3A_633 = arith.constant 0 : i32
    %dma_wait3A_634 = tpu.memref_slice %arg9[%dma_wait3A_632, %dma_wait3A_633] : memref<512x128xf32, #tpu.memory_space<vmem>> -> memref<128x128xf32, #tpu.memory_space<vmem>>
    tpu.wait_dma2 semaphore(%arg15 : memref<!tpu.dma_semaphore, #tpu.memory_space<semaphore_mem>>) src(%dma_wait3A_634 : memref<128x128xf32, #tpu.memory_space<vmem>>) dst(%dma_wait3A_631 : memref<128x128xf32, #tpu.memory_space<hbm>>)
    %dma_wait3A_635 = arith.constant 128 : i32
    %dma_wait3A_636 = arith.constant 0 : i32
    %dma_wait3A_637 = tpu.memref_slice %arg9[%dma_wait3A_635, %dma_wait3A_636] : memref<512x128xf32, #tpu.memory_space<vmem>> -> memref<128x128xf32, #tpu.memory_space<vmem>>
    %dma_wait3A_638 = arith.constant 0 : i32
    %dma_wait3A_639 = tpu.memref_slice %arg5[%add3A_222, %dma_wait3A_638] : memref<16384x128xf32, #tpu.memory_space<hbm>> -> memref<128x128xf32, #tpu.memory_space<hbm>>
    %dma_wait3A_640 = arith.constant 0 : i32
    %dma_wait3A_641 = tpu.memref_slice %arg5[%add3A_222, %dma_wait3A_640] : memref<16384x128xf32, #tpu.memory_space<hbm>> -> memref<128x128xf32, #tpu.memory_space<hbm>>
    %dma_wait3A_642 = arith.constant 128 : i32
    %dma_wait3A_643 = arith.constant 0 : i32
    %dma_wait3A_644 = tpu.memref_slice %arg9[%dma_wait3A_642, %dma_wait3A_643] : memref<512x128xf32, #tpu.memory_space<vmem>> -> memref<128x128xf32, #tpu.memory_space<vmem>>
    tpu.wait_dma2 semaphore(%arg15 : memref<!tpu.dma_semaphore, #tpu.memory_space<semaphore_mem>>) src(%dma_wait3A_644 : memref<128x128xf32, #tpu.memory_space<vmem>>) dst(%dma_wait3A_641 : memref<128x128xf32, #tpu.memory_space<hbm>>)
    %dma_wait3A_645 = arith.constant 256 : i32
    %dma_wait3A_646 = arith.constant 0 : i32
    %dma_wait3A_647 = tpu.memref_slice %arg9[%dma_wait3A_645, %dma_wait3A_646] : memref<512x128xf32, #tpu.memory_space<vmem>> -> memref<128x128xf32, #tpu.memory_space<vmem>>
    %dma_wait3A_648 = arith.constant 0 : i32
    %dma_wait3A_649 = tpu.memref_slice %arg5[%add3A_242, %dma_wait3A_648] : memref<16384x128xf32, #tpu.memory_space<hbm>> -> memref<128x128xf32, #tpu.memory_space<hbm>>
    %dma_wait3A_650 = arith.constant 0 : i32
    %dma_wait3A_651 = tpu.memref_slice %arg5[%add3A_242, %dma_wait3A_650] : memref<16384x128xf32, #tpu.memory_space<hbm>> -> memref<128x128xf32, #tpu.memory_space<hbm>>
    %dma_wait3A_652 = arith.constant 256 : i32
    %dma_wait3A_653 = arith.constant 0 : i32
    %dma_wait3A_654 = tpu.memref_slice %arg9[%dma_wait3A_652, %dma_wait3A_653] : memref<512x128xf32, #tpu.memory_space<vmem>> -> memref<128x128xf32, #tpu.memory_space<vmem>>
    tpu.wait_dma2 semaphore(%arg15 : memref<!tpu.dma_semaphore, #tpu.memory_space<semaphore_mem>>) src(%dma_wait3A_654 : memref<128x128xf32, #tpu.memory_space<vmem>>) dst(%dma_wait3A_651 : memref<128x128xf32, #tpu.memory_space<hbm>>)
    %dma_wait3A_655 = arith.constant 384 : i32
    %dma_wait3A_656 = arith.constant 0 : i32
    %dma_wait3A_657 = tpu.memref_slice %arg9[%dma_wait3A_655, %dma_wait3A_656] : memref<512x128xf32, #tpu.memory_space<vmem>> -> memref<128x128xf32, #tpu.memory_space<vmem>>
    %dma_wait3A_658 = arith.constant 0 : i32
    %dma_wait3A_659 = tpu.memref_slice %arg5[%add3A_262, %dma_wait3A_658] : memref<16384x128xf32, #tpu.memory_space<hbm>> -> memref<128x128xf32, #tpu.memory_space<hbm>>
    %dma_wait3A_660 = arith.constant 0 : i32
    %dma_wait3A_661 = tpu.memref_slice %arg5[%add3A_262, %dma_wait3A_660] : memref<16384x128xf32, #tpu.memory_space<hbm>> -> memref<128x128xf32, #tpu.memory_space<hbm>>
    %dma_wait3A_662 = arith.constant 384 : i32
    %dma_wait3A_663 = arith.constant 0 : i32
    %dma_wait3A_664 = tpu.memref_slice %arg9[%dma_wait3A_662, %dma_wait3A_663] : memref<512x128xf32, #tpu.memory_space<vmem>> -> memref<128x128xf32, #tpu.memory_space<vmem>>
    tpu.wait_dma2 semaphore(%arg15 : memref<!tpu.dma_semaphore, #tpu.memory_space<semaphore_mem>>) src(%dma_wait3A_664 : memref<128x128xf32, #tpu.memory_space<vmem>>) dst(%dma_wait3A_661 : memref<128x128xf32, #tpu.memory_space<hbm>>)
    %dma_wait3A_665 = arith.constant 0 : i32
    %dma_wait3A_666 = arith.constant 0 : i32
    %dma_wait3A_667 = arith.constant 0 : i32
    %dma_wait3A_668 = tpu.memref_slice %arg8[%dma_wait3A_665, %dma_wait3A_667] : memref<16x512xf32, #tpu.memory_space<vmem>> -> memref<1x512xf32, #tpu.memory_space<vmem>>
    %dma_wait3A_669 = tpu.memref_squeeze %dma_wait3A_668 : memref<1x512xf32, #tpu.memory_space<vmem>> -> memref<512xf32, #tpu.memory_space<vmem>>
    %dma_wait3A_670 = tpu.memref_slice %arg6[%dma_wait3A_666, %mul3A_2] : memref<16x16384xf32, #tpu.memory_space<hbm>> -> memref<1x512xf32, #tpu.memory_space<hbm>>
    %dma_wait3A_671 = tpu.memref_squeeze %dma_wait3A_670 : memref<1x512xf32, #tpu.memory_space<hbm>> -> memref<512xf32, #tpu.memory_space<hbm>>
    %dma_wait3A_672 = tpu.memref_slice %arg6[%dma_wait3A_666, %mul3A_2] : memref<16x16384xf32, #tpu.memory_space<hbm>> -> memref<1x512xf32, #tpu.memory_space<hbm>>
    %dma_wait3A_673 = tpu.memref_squeeze %dma_wait3A_672 : memref<1x512xf32, #tpu.memory_space<hbm>> -> memref<512xf32, #tpu.memory_space<hbm>>
    %dma_wait3A_674 = arith.constant 0 : i32
    %dma_wait3A_675 = tpu.memref_slice %arg8[%dma_wait3A_665, %dma_wait3A_674] : memref<16x512xf32, #tpu.memory_space<vmem>> -> memref<1x512xf32, #tpu.memory_space<vmem>>
    %dma_wait3A_676 = tpu.memref_squeeze %dma_wait3A_675 : memref<1x512xf32, #tpu.memory_space<vmem>> -> memref<512xf32, #tpu.memory_space<vmem>>
    tpu.wait_dma2 semaphore(%arg15 : memref<!tpu.dma_semaphore, #tpu.memory_space<semaphore_mem>>) src(%dma_wait3A_676 : memref<512xf32, #tpu.memory_space<vmem>>) dst(%dma_wait3A_673 : memref<512xf32, #tpu.memory_space<hbm>>)
    %dma_wait3A_677 = arith.constant 1 : i32
    %dma_wait3A_678 = arith.constant 1 : i32
    %dma_wait3A_679 = arith.constant 0 : i32
    %dma_wait3A_680 = tpu.memref_slice %arg8[%dma_wait3A_677, %dma_wait3A_679] : memref<16x512xf32, #tpu.memory_space<vmem>> -> memref<1x512xf32, #tpu.memory_space<vmem>>
    %dma_wait3A_681 = tpu.memref_squeeze %dma_wait3A_680 : memref<1x512xf32, #tpu.memory_space<vmem>> -> memref<512xf32, #tpu.memory_space<vmem>>
    %dma_wait3A_682 = tpu.memref_slice %arg6[%dma_wait3A_678, %mul3A_2] : memref<16x16384xf32, #tpu.memory_space<hbm>> -> memref<1x512xf32, #tpu.memory_space<hbm>>
    %dma_wait3A_683 = tpu.memref_squeeze %dma_wait3A_682 : memref<1x512xf32, #tpu.memory_space<hbm>> -> memref<512xf32, #tpu.memory_space<hbm>>
    %dma_wait3A_684 = tpu.memref_slice %arg6[%dma_wait3A_678, %mul3A_2] : memref<16x16384xf32, #tpu.memory_space<hbm>> -> memref<1x512xf32, #tpu.memory_space<hbm>>
    %dma_wait3A_685 = tpu.memref_squeeze %dma_wait3A_684 : memref<1x512xf32, #tpu.memory_space<hbm>> -> memref<512xf32, #tpu.memory_space<hbm>>
    %dma_wait3A_686 = arith.constant 0 : i32
    %dma_wait3A_687 = tpu.memref_slice %arg8[%dma_wait3A_677, %dma_wait3A_686] : memref<16x512xf32, #tpu.memory_space<vmem>> -> memref<1x512xf32, #tpu.memory_space<vmem>>
    %dma_wait3A_688 = tpu.memref_squeeze %dma_wait3A_687 : memref<1x512xf32, #tpu.memory_space<vmem>> -> memref<512xf32, #tpu.memory_space<vmem>>
    tpu.wait_dma2 semaphore(%arg15 : memref<!tpu.dma_semaphore, #tpu.memory_space<semaphore_mem>>) src(%dma_wait3A_688 : memref<512xf32, #tpu.memory_space<vmem>>) dst(%dma_wait3A_685 : memref<512xf32, #tpu.memory_space<hbm>>)
    %dma_wait3A_689 = arith.constant 2 : i32
    %dma_wait3A_690 = arith.constant 2 : i32
    %dma_wait3A_691 = arith.constant 0 : i32
    %dma_wait3A_692 = tpu.memref_slice %arg8[%dma_wait3A_689, %dma_wait3A_691] : memref<16x512xf32, #tpu.memory_space<vmem>> -> memref<1x512xf32, #tpu.memory_space<vmem>>
    %dma_wait3A_693 = tpu.memref_squeeze %dma_wait3A_692 : memref<1x512xf32, #tpu.memory_space<vmem>> -> memref<512xf32, #tpu.memory_space<vmem>>
    %dma_wait3A_694 = tpu.memref_slice %arg6[%dma_wait3A_690, %mul3A_2] : memref<16x16384xf32, #tpu.memory_space<hbm>> -> memref<1x512xf32, #tpu.memory_space<hbm>>
    %dma_wait3A_695 = tpu.memref_squeeze %dma_wait3A_694 : memref<1x512xf32, #tpu.memory_space<hbm>> -> memref<512xf32, #tpu.memory_space<hbm>>
    %dma_wait3A_696 = tpu.memref_slice %arg6[%dma_wait3A_690, %mul3A_2] : memref<16x16384xf32, #tpu.memory_space<hbm>> -> memref<1x512xf32, #tpu.memory_space<hbm>>
    %dma_wait3A_697 = tpu.memref_squeeze %dma_wait3A_696 : memref<1x512xf32, #tpu.memory_space<hbm>> -> memref<512xf32, #tpu.memory_space<hbm>>
    %dma_wait3A_698 = arith.constant 0 : i32
    %dma_wait3A_699 = tpu.memref_slice %arg8[%dma_wait3A_689, %dma_wait3A_698] : memref<16x512xf32, #tpu.memory_space<vmem>> -> memref<1x512xf32, #tpu.memory_space<vmem>>
    %dma_wait3A_700 = tpu.memref_squeeze %dma_wait3A_699 : memref<1x512xf32, #tpu.memory_space<vmem>> -> memref<512xf32, #tpu.memory_space<vmem>>
    tpu.wait_dma2 semaphore(%arg15 : memref<!tpu.dma_semaphore, #tpu.memory_space<semaphore_mem>>) src(%dma_wait3A_700 : memref<512xf32, #tpu.memory_space<vmem>>) dst(%dma_wait3A_697 : memref<512xf32, #tpu.memory_space<hbm>>)
    %dma_wait3A_701 = arith.constant 3 : i32
    %dma_wait3A_702 = arith.constant 3 : i32
    %dma_wait3A_703 = arith.constant 0 : i32
    %dma_wait3A_704 = tpu.memref_slice %arg8[%dma_wait3A_701, %dma_wait3A_703] : memref<16x512xf32, #tpu.memory_space<vmem>> -> memref<1x512xf32, #tpu.memory_space<vmem>>
    %dma_wait3A_705 = tpu.memref_squeeze %dma_wait3A_704 : memref<1x512xf32, #tpu.memory_space<vmem>> -> memref<512xf32, #tpu.memory_space<vmem>>
    %dma_wait3A_706 = tpu.memref_slice %arg6[%dma_wait3A_702, %mul3A_2] : memref<16x16384xf32, #tpu.memory_space<hbm>> -> memref<1x512xf32, #tpu.memory_space<hbm>>
    %dma_wait3A_707 = tpu.memref_squeeze %dma_wait3A_706 : memref<1x512xf32, #tpu.memory_space<hbm>> -> memref<512xf32, #tpu.memory_space<hbm>>
    %dma_wait3A_708 = tpu.memref_slice %arg6[%dma_wait3A_702, %mul3A_2] : memref<16x16384xf32, #tpu.memory_space<hbm>> -> memref<1x512xf32, #tpu.memory_space<hbm>>
    %dma_wait3A_709 = tpu.memref_squeeze %dma_wait3A_708 : memref<1x512xf32, #tpu.memory_space<hbm>> -> memref<512xf32, #tpu.memory_space<hbm>>
    %dma_wait3A_710 = arith.constant 0 : i32
    %dma_wait3A_711 = tpu.memref_slice %arg8[%dma_wait3A_701, %dma_wait3A_710] : memref<16x512xf32, #tpu.memory_space<vmem>> -> memref<1x512xf32, #tpu.memory_space<vmem>>
    %dma_wait3A_712 = tpu.memref_squeeze %dma_wait3A_711 : memref<1x512xf32, #tpu.memory_space<vmem>> -> memref<512xf32, #tpu.memory_space<vmem>>
    tpu.wait_dma2 semaphore(%arg15 : memref<!tpu.dma_semaphore, #tpu.memory_space<semaphore_mem>>) src(%dma_wait3A_712 : memref<512xf32, #tpu.memory_space<vmem>>) dst(%dma_wait3A_709 : memref<512xf32, #tpu.memory_space<hbm>>)
    %dma_wait3A_713 = arith.constant 4 : i32
    %dma_wait3A_714 = arith.constant 4 : i32
    %dma_wait3A_715 = arith.constant 0 : i32
    %dma_wait3A_716 = tpu.memref_slice %arg8[%dma_wait3A_713, %dma_wait3A_715] : memref<16x512xf32, #tpu.memory_space<vmem>> -> memref<1x512xf32, #tpu.memory_space<vmem>>
    %dma_wait3A_717 = tpu.memref_squeeze %dma_wait3A_716 : memref<1x512xf32, #tpu.memory_space<vmem>> -> memref<512xf32, #tpu.memory_space<vmem>>
    %dma_wait3A_718 = tpu.memref_slice %arg6[%dma_wait3A_714, %mul3A_2] : memref<16x16384xf32, #tpu.memory_space<hbm>> -> memref<1x512xf32, #tpu.memory_space<hbm>>
    %dma_wait3A_719 = tpu.memref_squeeze %dma_wait3A_718 : memref<1x512xf32, #tpu.memory_space<hbm>> -> memref<512xf32, #tpu.memory_space<hbm>>
    %dma_wait3A_720 = tpu.memref_slice %arg6[%dma_wait3A_714, %mul3A_2] : memref<16x16384xf32, #tpu.memory_space<hbm>> -> memref<1x512xf32, #tpu.memory_space<hbm>>
    %dma_wait3A_721 = tpu.memref_squeeze %dma_wait3A_720 : memref<1x512xf32, #tpu.memory_space<hbm>> -> memref<512xf32, #tpu.memory_space<hbm>>
    %dma_wait3A_722 = arith.constant 0 : i32
    %dma_wait3A_723 = tpu.memref_slice %arg8[%dma_wait3A_713, %dma_wait3A_722] : memref<16x512xf32, #tpu.memory_space<vmem>> -> memref<1x512xf32, #tpu.memory_space<vmem>>
    %dma_wait3A_724 = tpu.memref_squeeze %dma_wait3A_723 : memref<1x512xf32, #tpu.memory_space<vmem>> -> memref<512xf32, #tpu.memory_space<vmem>>
    tpu.wait_dma2 semaphore(%arg15 : memref<!tpu.dma_semaphore, #tpu.memory_space<semaphore_mem>>) src(%dma_wait3A_724 : memref<512xf32, #tpu.memory_space<vmem>>) dst(%dma_wait3A_721 : memref<512xf32, #tpu.memory_space<hbm>>)
    %dma_wait3A_725 = arith.constant 5 : i32
    %dma_wait3A_726 = arith.constant 5 : i32
    %dma_wait3A_727 = arith.constant 0 : i32
    %dma_wait3A_728 = tpu.memref_slice %arg8[%dma_wait3A_725, %dma_wait3A_727] : memref<16x512xf32, #tpu.memory_space<vmem>> -> memref<1x512xf32, #tpu.memory_space<vmem>>
    %dma_wait3A_729 = tpu.memref_squeeze %dma_wait3A_728 : memref<1x512xf32, #tpu.memory_space<vmem>> -> memref<512xf32, #tpu.memory_space<vmem>>
    %dma_wait3A_730 = tpu.memref_slice %arg6[%dma_wait3A_726, %mul3A_2] : memref<16x16384xf32, #tpu.memory_space<hbm>> -> memref<1x512xf32, #tpu.memory_space<hbm>>
    %dma_wait3A_731 = tpu.memref_squeeze %dma_wait3A_730 : memref<1x512xf32, #tpu.memory_space<hbm>> -> memref<512xf32, #tpu.memory_space<hbm>>
    %dma_wait3A_732 = tpu.memref_slice %arg6[%dma_wait3A_726, %mul3A_2] : memref<16x16384xf32, #tpu.memory_space<hbm>> -> memref<1x512xf32, #tpu.memory_space<hbm>>
    %dma_wait3A_733 = tpu.memref_squeeze %dma_wait3A_732 : memref<1x512xf32, #tpu.memory_space<hbm>> -> memref<512xf32, #tpu.memory_space<hbm>>
    %dma_wait3A_734 = arith.constant 0 : i32
    %dma_wait3A_735 = tpu.memref_slice %arg8[%dma_wait3A_725, %dma_wait3A_734] : memref<16x512xf32, #tpu.memory_space<vmem>> -> memref<1x512xf32, #tpu.memory_space<vmem>>
    %dma_wait3A_736 = tpu.memref_squeeze %dma_wait3A_735 : memref<1x512xf32, #tpu.memory_space<vmem>> -> memref<512xf32, #tpu.memory_space<vmem>>
    tpu.wait_dma2 semaphore(%arg15 : memref<!tpu.dma_semaphore, #tpu.memory_space<semaphore_mem>>) src(%dma_wait3A_736 : memref<512xf32, #tpu.memory_space<vmem>>) dst(%dma_wait3A_733 : memref<512xf32, #tpu.memory_space<hbm>>)
    %dma_wait3A_737 = arith.constant 6 : i32
    %dma_wait3A_738 = arith.constant 6 : i32
    %dma_wait3A_739 = arith.constant 0 : i32
    %dma_wait3A_740 = tpu.memref_slice %arg8[%dma_wait3A_737, %dma_wait3A_739] : memref<16x512xf32, #tpu.memory_space<vmem>> -> memref<1x512xf32, #tpu.memory_space<vmem>>
    %dma_wait3A_741 = tpu.memref_squeeze %dma_wait3A_740 : memref<1x512xf32, #tpu.memory_space<vmem>> -> memref<512xf32, #tpu.memory_space<vmem>>
    %dma_wait3A_742 = tpu.memref_slice %arg6[%dma_wait3A_738, %mul3A_2] : memref<16x16384xf32, #tpu.memory_space<hbm>> -> memref<1x512xf32, #tpu.memory_space<hbm>>
    %dma_wait3A_743 = tpu.memref_squeeze %dma_wait3A_742 : memref<1x512xf32, #tpu.memory_space<hbm>> -> memref<512xf32, #tpu.memory_space<hbm>>
    %dma_wait3A_744 = tpu.memref_slice %arg6[%dma_wait3A_738, %mul3A_2] : memref<16x16384xf32, #tpu.memory_space<hbm>> -> memref<1x512xf32, #tpu.memory_space<hbm>>
    %dma_wait3A_745 = tpu.memref_squeeze %dma_wait3A_744 : memref<1x512xf32, #tpu.memory_space<hbm>> -> memref<512xf32, #tpu.memory_space<hbm>>
    %dma_wait3A_746 = arith.constant 0 : i32
    %dma_wait3A_747 = tpu.memref_slice %arg8[%dma_wait3A_737, %dma_wait3A_746] : memref<16x512xf32, #tpu.memory_space<vmem>> -> memref<1x512xf32, #tpu.memory_space<vmem>>
    %dma_wait3A_748 = tpu.memref_squeeze %dma_wait3A_747 : memref<1x512xf32, #tpu.memory_space<vmem>> -> memref<512xf32, #tpu.memory_space<vmem>>
    tpu.wait_dma2 semaphore(%arg15 : memref<!tpu.dma_semaphore, #tpu.memory_space<semaphore_mem>>) src(%dma_wait3A_748 : memref<512xf32, #tpu.memory_space<vmem>>) dst(%dma_wait3A_745 : memref<512xf32, #tpu.memory_space<hbm>>)
    %dma_wait3A_749 = arith.constant 7 : i32
    %dma_wait3A_750 = arith.constant 7 : i32
    %dma_wait3A_751 = arith.constant 0 : i32
    %dma_wait3A_752 = tpu.memref_slice %arg8[%dma_wait3A_749, %dma_wait3A_751] : memref<16x512xf32, #tpu.memory_space<vmem>> -> memref<1x512xf32, #tpu.memory_space<vmem>>
    %dma_wait3A_753 = tpu.memref_squeeze %dma_wait3A_752 : memref<1x512xf32, #tpu.memory_space<vmem>> -> memref<512xf32, #tpu.memory_space<vmem>>
    %dma_wait3A_754 = tpu.memref_slice %arg6[%dma_wait3A_750, %mul3A_2] : memref<16x16384xf32, #tpu.memory_space<hbm>> -> memref<1x512xf32, #tpu.memory_space<hbm>>
    %dma_wait3A_755 = tpu.memref_squeeze %dma_wait3A_754 : memref<1x512xf32, #tpu.memory_space<hbm>> -> memref<512xf32, #tpu.memory_space<hbm>>
    %dma_wait3A_756 = tpu.memref_slice %arg6[%dma_wait3A_750, %mul3A_2] : memref<16x16384xf32, #tpu.memory_space<hbm>> -> memref<1x512xf32, #tpu.memory_space<hbm>>
    %dma_wait3A_757 = tpu.memref_squeeze %dma_wait3A_756 : memref<1x512xf32, #tpu.memory_space<hbm>> -> memref<512xf32, #tpu.memory_space<hbm>>
    %dma_wait3A_758 = arith.constant 0 : i32
    %dma_wait3A_759 = tpu.memref_slice %arg8[%dma_wait3A_749, %dma_wait3A_758] : memref<16x512xf32, #tpu.memory_space<vmem>> -> memref<1x512xf32, #tpu.memory_space<vmem>>
    %dma_wait3A_760 = tpu.memref_squeeze %dma_wait3A_759 : memref<1x512xf32, #tpu.memory_space<vmem>> -> memref<512xf32, #tpu.memory_space<vmem>>
    tpu.wait_dma2 semaphore(%arg15 : memref<!tpu.dma_semaphore, #tpu.memory_space<semaphore_mem>>) src(%dma_wait3A_760 : memref<512xf32, #tpu.memory_space<vmem>>) dst(%dma_wait3A_757 : memref<512xf32, #tpu.memory_space<hbm>>)
    %dma_wait3A_761 = arith.constant 8 : i32
    %dma_wait3A_762 = arith.constant 8 : i32
    %dma_wait3A_763 = arith.constant 0 : i32
    %dma_wait3A_764 = tpu.memref_slice %arg8[%dma_wait3A_761, %dma_wait3A_763] : memref<16x512xf32, #tpu.memory_space<vmem>> -> memref<1x512xf32, #tpu.memory_space<vmem>>
    %dma_wait3A_765 = tpu.memref_squeeze %dma_wait3A_764 : memref<1x512xf32, #tpu.memory_space<vmem>> -> memref<512xf32, #tpu.memory_space<vmem>>
    %dma_wait3A_766 = tpu.memref_slice %arg6[%dma_wait3A_762, %mul3A_2] : memref<16x16384xf32, #tpu.memory_space<hbm>> -> memref<1x512xf32, #tpu.memory_space<hbm>>
    %dma_wait3A_767 = tpu.memref_squeeze %dma_wait3A_766 : memref<1x512xf32, #tpu.memory_space<hbm>> -> memref<512xf32, #tpu.memory_space<hbm>>
    %dma_wait3A_768 = tpu.memref_slice %arg6[%dma_wait3A_762, %mul3A_2] : memref<16x16384xf32, #tpu.memory_space<hbm>> -> memref<1x512xf32, #tpu.memory_space<hbm>>
    %dma_wait3A_769 = tpu.memref_squeeze %dma_wait3A_768 : memref<1x512xf32, #tpu.memory_space<hbm>> -> memref<512xf32, #tpu.memory_space<hbm>>
    %dma_wait3A_770 = arith.constant 0 : i32
    %dma_wait3A_771 = tpu.memref_slice %arg8[%dma_wait3A_761, %dma_wait3A_770] : memref<16x512xf32, #tpu.memory_space<vmem>> -> memref<1x512xf32, #tpu.memory_space<vmem>>
    %dma_wait3A_772 = tpu.memref_squeeze %dma_wait3A_771 : memref<1x512xf32, #tpu.memory_space<vmem>> -> memref<512xf32, #tpu.memory_space<vmem>>
    tpu.wait_dma2 semaphore(%arg15 : memref<!tpu.dma_semaphore, #tpu.memory_space<semaphore_mem>>) src(%dma_wait3A_772 : memref<512xf32, #tpu.memory_space<vmem>>) dst(%dma_wait3A_769 : memref<512xf32, #tpu.memory_space<hbm>>)
    %dma_wait3A_773 = arith.constant 9 : i32
    %dma_wait3A_774 = arith.constant 9 : i32
    %dma_wait3A_775 = arith.constant 0 : i32
    %dma_wait3A_776 = tpu.memref_slice %arg8[%dma_wait3A_773, %dma_wait3A_775] : memref<16x512xf32, #tpu.memory_space<vmem>> -> memref<1x512xf32, #tpu.memory_space<vmem>>
    %dma_wait3A_777 = tpu.memref_squeeze %dma_wait3A_776 : memref<1x512xf32, #tpu.memory_space<vmem>> -> memref<512xf32, #tpu.memory_space<vmem>>
    %dma_wait3A_778 = tpu.memref_slice %arg6[%dma_wait3A_774, %mul3A_2] : memref<16x16384xf32, #tpu.memory_space<hbm>> -> memref<1x512xf32, #tpu.memory_space<hbm>>
    %dma_wait3A_779 = tpu.memref_squeeze %dma_wait3A_778 : memref<1x512xf32, #tpu.memory_space<hbm>> -> memref<512xf32, #tpu.memory_space<hbm>>
    %dma_wait3A_780 = tpu.memref_slice %arg6[%dma_wait3A_774, %mul3A_2] : memref<16x16384xf32, #tpu.memory_space<hbm>> -> memref<1x512xf32, #tpu.memory_space<hbm>>
    %dma_wait3A_781 = tpu.memref_squeeze %dma_wait3A_780 : memref<1x512xf32, #tpu.memory_space<hbm>> -> memref<512xf32, #tpu.memory_space<hbm>>
    %dma_wait3A_782 = arith.constant 0 : i32
    %dma_wait3A_783 = tpu.memref_slice %arg8[%dma_wait3A_773, %dma_wait3A_782] : memref<16x512xf32, #tpu.memory_space<vmem>> -> memref<1x512xf32, #tpu.memory_space<vmem>>
    %dma_wait3A_784 = tpu.memref_squeeze %dma_wait3A_783 : memref<1x512xf32, #tpu.memory_space<vmem>> -> memref<512xf32, #tpu.memory_space<vmem>>
    tpu.wait_dma2 semaphore(%arg15 : memref<!tpu.dma_semaphore, #tpu.memory_space<semaphore_mem>>) src(%dma_wait3A_784 : memref<512xf32, #tpu.memory_space<vmem>>) dst(%dma_wait3A_781 : memref<512xf32, #tpu.memory_space<hbm>>)
    %dma_wait3A_785 = arith.constant 10 : i32
    %dma_wait3A_786 = arith.constant 10 : i32
    %dma_wait3A_787 = arith.constant 0 : i32
    %dma_wait3A_788 = tpu.memref_slice %arg8[%dma_wait3A_785, %dma_wait3A_787] : memref<16x512xf32, #tpu.memory_space<vmem>> -> memref<1x512xf32, #tpu.memory_space<vmem>>
    %dma_wait3A_789 = tpu.memref_squeeze %dma_wait3A_788 : memref<1x512xf32, #tpu.memory_space<vmem>> -> memref<512xf32, #tpu.memory_space<vmem>>
    %dma_wait3A_790 = tpu.memref_slice %arg6[%dma_wait3A_786, %mul3A_2] : memref<16x16384xf32, #tpu.memory_space<hbm>> -> memref<1x512xf32, #tpu.memory_space<hbm>>
    %dma_wait3A_791 = tpu.memref_squeeze %dma_wait3A_790 : memref<1x512xf32, #tpu.memory_space<hbm>> -> memref<512xf32, #tpu.memory_space<hbm>>
    %dma_wait3A_792 = tpu.memref_slice %arg6[%dma_wait3A_786, %mul3A_2] : memref<16x16384xf32, #tpu.memory_space<hbm>> -> memref<1x512xf32, #tpu.memory_space<hbm>>
    %dma_wait3A_793 = tpu.memref_squeeze %dma_wait3A_792 : memref<1x512xf32, #tpu.memory_space<hbm>> -> memref<512xf32, #tpu.memory_space<hbm>>
    %dma_wait3A_794 = arith.constant 0 : i32
    %dma_wait3A_795 = tpu.memref_slice %arg8[%dma_wait3A_785, %dma_wait3A_794] : memref<16x512xf32, #tpu.memory_space<vmem>> -> memref<1x512xf32, #tpu.memory_space<vmem>>
    %dma_wait3A_796 = tpu.memref_squeeze %dma_wait3A_795 : memref<1x512xf32, #tpu.memory_space<vmem>> -> memref<512xf32, #tpu.memory_space<vmem>>
    tpu.wait_dma2 semaphore(%arg15 : memref<!tpu.dma_semaphore, #tpu.memory_space<semaphore_mem>>) src(%dma_wait3A_796 : memref<512xf32, #tpu.memory_space<vmem>>) dst(%dma_wait3A_793 : memref<512xf32, #tpu.memory_space<hbm>>)
    %dma_wait3A_797 = arith.constant 11 : i32
    %dma_wait3A_798 = arith.constant 11 : i32
    %dma_wait3A_799 = arith.constant 0 : i32
    %dma_wait3A_800 = tpu.memref_slice %arg8[%dma_wait3A_797, %dma_wait3A_799] : memref<16x512xf32, #tpu.memory_space<vmem>> -> memref<1x512xf32, #tpu.memory_space<vmem>>
    %dma_wait3A_801 = tpu.memref_squeeze %dma_wait3A_800 : memref<1x512xf32, #tpu.memory_space<vmem>> -> memref<512xf32, #tpu.memory_space<vmem>>
    %dma_wait3A_802 = tpu.memref_slice %arg6[%dma_wait3A_798, %mul3A_2] : memref<16x16384xf32, #tpu.memory_space<hbm>> -> memref<1x512xf32, #tpu.memory_space<hbm>>
    %dma_wait3A_803 = tpu.memref_squeeze %dma_wait3A_802 : memref<1x512xf32, #tpu.memory_space<hbm>> -> memref<512xf32, #tpu.memory_space<hbm>>
    %dma_wait3A_804 = tpu.memref_slice %arg6[%dma_wait3A_798, %mul3A_2] : memref<16x16384xf32, #tpu.memory_space<hbm>> -> memref<1x512xf32, #tpu.memory_space<hbm>>
    %dma_wait3A_805 = tpu.memref_squeeze %dma_wait3A_804 : memref<1x512xf32, #tpu.memory_space<hbm>> -> memref<512xf32, #tpu.memory_space<hbm>>
    %dma_wait3A_806 = arith.constant 0 : i32
    %dma_wait3A_807 = tpu.memref_slice %arg8[%dma_wait3A_797, %dma_wait3A_806] : memref<16x512xf32, #tpu.memory_space<vmem>> -> memref<1x512xf32, #tpu.memory_space<vmem>>
    %dma_wait3A_808 = tpu.memref_squeeze %dma_wait3A_807 : memref<1x512xf32, #tpu.memory_space<vmem>> -> memref<512xf32, #tpu.memory_space<vmem>>
    tpu.wait_dma2 semaphore(%arg15 : memref<!tpu.dma_semaphore, #tpu.memory_space<semaphore_mem>>) src(%dma_wait3A_808 : memref<512xf32, #tpu.memory_space<vmem>>) dst(%dma_wait3A_805 : memref<512xf32, #tpu.memory_space<hbm>>)
    %dma_wait3A_809 = arith.constant 12 : i32
    %dma_wait3A_810 = arith.constant 12 : i32
    %dma_wait3A_811 = arith.constant 0 : i32
    %dma_wait3A_812 = tpu.memref_slice %arg8[%dma_wait3A_809, %dma_wait3A_811] : memref<16x512xf32, #tpu.memory_space<vmem>> -> memref<1x512xf32, #tpu.memory_space<vmem>>
    %dma_wait3A_813 = tpu.memref_squeeze %dma_wait3A_812 : memref<1x512xf32, #tpu.memory_space<vmem>> -> memref<512xf32, #tpu.memory_space<vmem>>
    %dma_wait3A_814 = tpu.memref_slice %arg6[%dma_wait3A_810, %mul3A_2] : memref<16x16384xf32, #tpu.memory_space<hbm>> -> memref<1x512xf32, #tpu.memory_space<hbm>>
    %dma_wait3A_815 = tpu.memref_squeeze %dma_wait3A_814 : memref<1x512xf32, #tpu.memory_space<hbm>> -> memref<512xf32, #tpu.memory_space<hbm>>
    %dma_wait3A_816 = tpu.memref_slice %arg6[%dma_wait3A_810, %mul3A_2] : memref<16x16384xf32, #tpu.memory_space<hbm>> -> memref<1x512xf32, #tpu.memory_space<hbm>>
    %dma_wait3A_817 = tpu.memref_squeeze %dma_wait3A_816 : memref<1x512xf32, #tpu.memory_space<hbm>> -> memref<512xf32, #tpu.memory_space<hbm>>
    %dma_wait3A_818 = arith.constant 0 : i32
    %dma_wait3A_819 = tpu.memref_slice %arg8[%dma_wait3A_809, %dma_wait3A_818] : memref<16x512xf32, #tpu.memory_space<vmem>> -> memref<1x512xf32, #tpu.memory_space<vmem>>
    %dma_wait3A_820 = tpu.memref_squeeze %dma_wait3A_819 : memref<1x512xf32, #tpu.memory_space<vmem>> -> memref<512xf32, #tpu.memory_space<vmem>>
    tpu.wait_dma2 semaphore(%arg15 : memref<!tpu.dma_semaphore, #tpu.memory_space<semaphore_mem>>) src(%dma_wait3A_820 : memref<512xf32, #tpu.memory_space<vmem>>) dst(%dma_wait3A_817 : memref<512xf32, #tpu.memory_space<hbm>>)
    %dma_wait3A_821 = arith.constant 13 : i32
    %dma_wait3A_822 = arith.constant 13 : i32
    %dma_wait3A_823 = arith.constant 0 : i32
    %dma_wait3A_824 = tpu.memref_slice %arg8[%dma_wait3A_821, %dma_wait3A_823] : memref<16x512xf32, #tpu.memory_space<vmem>> -> memref<1x512xf32, #tpu.memory_space<vmem>>
    %dma_wait3A_825 = tpu.memref_squeeze %dma_wait3A_824 : memref<1x512xf32, #tpu.memory_space<vmem>> -> memref<512xf32, #tpu.memory_space<vmem>>
    %dma_wait3A_826 = tpu.memref_slice %arg6[%dma_wait3A_822, %mul3A_2] : memref<16x16384xf32, #tpu.memory_space<hbm>> -> memref<1x512xf32, #tpu.memory_space<hbm>>
    %dma_wait3A_827 = tpu.memref_squeeze %dma_wait3A_826 : memref<1x512xf32, #tpu.memory_space<hbm>> -> memref<512xf32, #tpu.memory_space<hbm>>
    %dma_wait3A_828 = tpu.memref_slice %arg6[%dma_wait3A_822, %mul3A_2] : memref<16x16384xf32, #tpu.memory_space<hbm>> -> memref<1x512xf32, #tpu.memory_space<hbm>>
    %dma_wait3A_829 = tpu.memref_squeeze %dma_wait3A_828 : memref<1x512xf32, #tpu.memory_space<hbm>> -> memref<512xf32, #tpu.memory_space<hbm>>
    %dma_wait3A_830 = arith.constant 0 : i32
    %dma_wait3A_831 = tpu.memref_slice %arg8[%dma_wait3A_821, %dma_wait3A_830] : memref<16x512xf32, #tpu.memory_space<vmem>> -> memref<1x512xf32, #tpu.memory_space<vmem>>
    %dma_wait3A_832 = tpu.memref_squeeze %dma_wait3A_831 : memref<1x512xf32, #tpu.memory_space<vmem>> -> memref<512xf32, #tpu.memory_space<vmem>>
    tpu.wait_dma2 semaphore(%arg15 : memref<!tpu.dma_semaphore, #tpu.memory_space<semaphore_mem>>) src(%dma_wait3A_832 : memref<512xf32, #tpu.memory_space<vmem>>) dst(%dma_wait3A_829 : memref<512xf32, #tpu.memory_space<hbm>>)
    %dma_wait3A_833 = arith.constant 14 : i32
    %dma_wait3A_834 = arith.constant 14 : i32
    %dma_wait3A_835 = arith.constant 0 : i32
    %dma_wait3A_836 = tpu.memref_slice %arg8[%dma_wait3A_833, %dma_wait3A_835] : memref<16x512xf32, #tpu.memory_space<vmem>> -> memref<1x512xf32, #tpu.memory_space<vmem>>
    %dma_wait3A_837 = tpu.memref_squeeze %dma_wait3A_836 : memref<1x512xf32, #tpu.memory_space<vmem>> -> memref<512xf32, #tpu.memory_space<vmem>>
    %dma_wait3A_838 = tpu.memref_slice %arg6[%dma_wait3A_834, %mul3A_2] : memref<16x16384xf32, #tpu.memory_space<hbm>> -> memref<1x512xf32, #tpu.memory_space<hbm>>
    %dma_wait3A_839 = tpu.memref_squeeze %dma_wait3A_838 : memref<1x512xf32, #tpu.memory_space<hbm>> -> memref<512xf32, #tpu.memory_space<hbm>>
    %dma_wait3A_840 = tpu.memref_slice %arg6[%dma_wait3A_834, %mul3A_2] : memref<16x16384xf32, #tpu.memory_space<hbm>> -> memref<1x512xf32, #tpu.memory_space<hbm>>
    %dma_wait3A_841 = tpu.memref_squeeze %dma_wait3A_840 : memref<1x512xf32, #tpu.memory_space<hbm>> -> memref<512xf32, #tpu.memory_space<hbm>>
    %dma_wait3A_842 = arith.constant 0 : i32
    %dma_wait3A_843 = tpu.memref_slice %arg8[%dma_wait3A_833, %dma_wait3A_842] : memref<16x512xf32, #tpu.memory_space<vmem>> -> memref<1x512xf32, #tpu.memory_space<vmem>>
    %dma_wait3A_844 = tpu.memref_squeeze %dma_wait3A_843 : memref<1x512xf32, #tpu.memory_space<vmem>> -> memref<512xf32, #tpu.memory_space<vmem>>
    tpu.wait_dma2 semaphore(%arg15 : memref<!tpu.dma_semaphore, #tpu.memory_space<semaphore_mem>>) src(%dma_wait3A_844 : memref<512xf32, #tpu.memory_space<vmem>>) dst(%dma_wait3A_841 : memref<512xf32, #tpu.memory_space<hbm>>)
    %dma_wait3A_845 = arith.constant 15 : i32
    %dma_wait3A_846 = arith.constant 15 : i32
    %dma_wait3A_847 = arith.constant 0 : i32
    %dma_wait3A_848 = tpu.memref_slice %arg8[%dma_wait3A_845, %dma_wait3A_847] : memref<16x512xf32, #tpu.memory_space<vmem>> -> memref<1x512xf32, #tpu.memory_space<vmem>>
    %dma_wait3A_849 = tpu.memref_squeeze %dma_wait3A_848 : memref<1x512xf32, #tpu.memory_space<vmem>> -> memref<512xf32, #tpu.memory_space<vmem>>
    %dma_wait3A_850 = tpu.memref_slice %arg6[%dma_wait3A_846, %mul3A_2] : memref<16x16384xf32, #tpu.memory_space<hbm>> -> memref<1x512xf32, #tpu.memory_space<hbm>>
    %dma_wait3A_851 = tpu.memref_squeeze %dma_wait3A_850 : memref<1x512xf32, #tpu.memory_space<hbm>> -> memref<512xf32, #tpu.memory_space<hbm>>
    %dma_wait3A_852 = tpu.memref_slice %arg6[%dma_wait3A_846, %mul3A_2] : memref<16x16384xf32, #tpu.memory_space<hbm>> -> memref<1x512xf32, #tpu.memory_space<hbm>>
    %dma_wait3A_853 = tpu.memref_squeeze %dma_wait3A_852 : memref<1x512xf32, #tpu.memory_space<hbm>> -> memref<512xf32, #tpu.memory_space<hbm>>
    %dma_wait3A_854 = arith.constant 0 : i32
    %dma_wait3A_855 = tpu.memref_slice %arg8[%dma_wait3A_845, %dma_wait3A_854] : memref<16x512xf32, #tpu.memory_space<vmem>> -> memref<1x512xf32, #tpu.memory_space<vmem>>
    %dma_wait3A_856 = tpu.memref_squeeze %dma_wait3A_855 : memref<1x512xf32, #tpu.memory_space<vmem>> -> memref<512xf32, #tpu.memory_space<vmem>>
    tpu.wait_dma2 semaphore(%arg15 : memref<!tpu.dma_semaphore, #tpu.memory_space<semaphore_mem>>) src(%dma_wait3A_856 : memref<512xf32, #tpu.memory_space<vmem>>) dst(%dma_wait3A_853 : memref<512xf32, #tpu.memory_space<hbm>>)
    return
  }
}

module attributes {stable_mosaic.version = 14 : i64} {
  func.func @_head_body(%arg0: i32, %arg1: memref<16x8192xf32, #tpu.memory_space<vmem>>, %arg2: memref<8192x128xf32, #tpu.memory_space<vmem>>, %arg3: memref<32x16xf32, #tpu.memory_space<vmem>>, %arg4: memref<32x1xf32, #tpu.memory_space<vmem>>, %arg5: memref<64x128xf32, #tpu.memory_space<vmem>>, %arg6: memref<64x1xf32, #tpu.memory_space<vmem>>, %arg7: memref<96x1xf32, #tpu.memory_space<vmem>>, %arg8: memref<96x1xf32, #tpu.memory_space<vmem>>, %arg9: memref<64x96xf32, #tpu.memory_space<vmem>>, %arg10: memref<64x1xf32, #tpu.memory_space<vmem>>, %arg11: memref<64x8192xf32, #tpu.memory_space<vmem>>) attributes {dimension_semantics = [#tpu.dimension_semantics<arbitrary>], iteration_bounds = array<i64: 2>, scalar_prefetch = 0 : i64, scratch_operands = 0 : i64, tpu.core_type = #tpu.core_type<tc>, window_params = [{transform_indices = @transform_0, window_bounds = array<i64: 16, 8192>}, {transform_indices = @transform_1, window_bounds = array<i64: 8192, 128>}, {pipeline_mode = #tpu.pipeline_mode<synchronous>, transform_indices = @transform_2, window_bounds = array<i64: 32, 16>}, {pipeline_mode = #tpu.pipeline_mode<synchronous>, transform_indices = @transform_3, window_bounds = array<i64: 32, 1>}, {pipeline_mode = #tpu.pipeline_mode<synchronous>, transform_indices = @transform_4, window_bounds = array<i64: 64, 128>}, {pipeline_mode = #tpu.pipeline_mode<synchronous>, transform_indices = @transform_5, window_bounds = array<i64: 64, 1>}, {pipeline_mode = #tpu.pipeline_mode<synchronous>, transform_indices = @transform_6, window_bounds = array<i64: 96, 1>}, {pipeline_mode = #tpu.pipeline_mode<synchronous>, transform_indices = @transform_7, window_bounds = array<i64: 96, 1>}, {pipeline_mode = #tpu.pipeline_mode<synchronous>, transform_indices = @transform_8, window_bounds = array<i64: 64, 96>}, {pipeline_mode = #tpu.pipeline_mode<synchronous>, transform_indices = @transform_9, window_bounds = array<i64: 64, 1>}, {transform_indices = @transform_10, window_bounds = array<i64: 64, 8192>}]} {
    %get3A = arith.constant 0 : index
    %get3A_0 = arith.constant 0 : index
    %get3A_1 = vector.load %arg1[%get3A, %get3A_0] : memref<16x8192xf32, #tpu.memory_space<vmem>>, vector<16x8192xf32>
    %get3A_2 = arith.constant 0 : index
    %get3A_3 = arith.constant 0 : index
    %get3A_4 = vector.load %arg2[%get3A_2, %get3A_3] : memref<8192x128xf32, #tpu.memory_space<vmem>>, vector<8192x128xf32>
    %get3A_5 = arith.constant 0 : index
    %get3A_6 = arith.constant 0 : index
    %get3A_7 = vector.load %arg3[%get3A_5, %get3A_6] : memref<32x16xf32, #tpu.memory_space<vmem>>, vector<32x16xf32>
    %dot_general3A = arith.constant dense<0.000000e+00> : vector<32x8192xf32>
    %dot_general3A_8 = tpu.matmul %get3A_7, %get3A_1, %dot_general3A {dimension_numbers = #tpu.dot_dimension_numbers<[1], [0], [0], [1], [0, 0, 1, 1], [], []>, transpose_lhs_hint = false} : vector<32x16xf32>, vector<16x8192xf32>, vector<32x8192xf32> -> vector<32x8192xf32>
    %get3A_9 = arith.constant 0 : index
    %get3A_10 = arith.constant 0 : index
    %get3A_11 = vector.load %arg4[%get3A_9, %get3A_10] : memref<32x1xf32, #tpu.memory_space<vmem>>, vector<32x1xf32>
    %add3A = vector.broadcast %get3A_11 : vector<32x1xf32> to vector<32x8192xf32>
    %add3A_12 = arith.addf %dot_general3A_8, %add3A : vector<32x8192xf32>
    %mul3A = arith.constant 5.000000e-01 : f32
    %mul3A_13 = vector.broadcast %mul3A : f32 to vector<32x8192xf32>
    %mul3A_14 = arith.mulf %mul3A_13, %add3A_12 : vector<32x8192xf32>
    %mul3A_15 = arith.constant 0.707106769 : f32
    %mul3A_16 = vector.broadcast %mul3A_15 : f32 to vector<32x8192xf32>
    %mul3A_17 = arith.mulf %add3A_12, %mul3A_16 : vector<32x8192xf32>
    %erf3A = math.erf %mul3A_17 : vector<32x8192xf32>
    %add3A_18 = arith.constant 1.000000e+00 : f32
    %add3A_19 = vector.broadcast %add3A_18 : f32 to vector<32x8192xf32>
    %add3A_20 = arith.addf %add3A_19, %erf3A : vector<32x8192xf32>
    %mul3A_21 = arith.mulf %mul3A_14, %add3A_20 : vector<32x8192xf32>
    %get3A_22 = arith.constant 0 : index
    %get3A_23 = arith.constant 0 : index
    %get3A_24 = vector.load %arg5[%get3A_22, %get3A_23] : memref<64x128xf32, #tpu.memory_space<vmem>>, vector<64x128xf32>
    %dot_general3A_25 = arith.constant dense<0.000000e+00> : vector<64x8192xf32>
    %dot_general3A_26 = tpu.matmul %get3A_24, %get3A_4, %dot_general3A_25 {dimension_numbers = #tpu.dot_dimension_numbers<[1], [1], [0], [0], [0, 0, 1, 0], [], []>, transpose_lhs_hint = false} : vector<64x128xf32>, vector<8192x128xf32>, vector<64x8192xf32> -> vector<64x8192xf32>
    %get3A_27 = arith.constant 0 : index
    %get3A_28 = arith.constant 0 : index
    %get3A_29 = vector.load %arg6[%get3A_27, %get3A_28] : memref<64x1xf32, #tpu.memory_space<vmem>>, vector<64x1xf32>
    %add3A_30 = vector.broadcast %get3A_29 : vector<64x1xf32> to vector<64x8192xf32>
    %add3A_31 = arith.addf %dot_general3A_26, %add3A_30 : vector<64x8192xf32>
    %reduce_sum3A = arith.constant dense<0.000000e+00> : vector<8192xf32>
    %reduce_sum3A_32 = vector.multi_reduction <add>, %mul3A_21, %reduce_sum3A [0] : vector<32x8192xf32> to vector<8192xf32>
    %broadcast_in_dim3A = vector.shape_cast %reduce_sum3A_32 : vector<8192xf32> to vector<1x8192xf32>
    %reduce_sum3A_33 = arith.constant dense<0.000000e+00> : vector<8192xf32>
    %reduce_sum3A_34 = vector.multi_reduction <add>, %add3A_31, %reduce_sum3A_33 [0] : vector<64x8192xf32> to vector<8192xf32>
    %broadcast_in_dim3A_35 = vector.shape_cast %reduce_sum3A_34 : vector<8192xf32> to vector<1x8192xf32>
    %add3A_36 = arith.addf %broadcast_in_dim3A, %broadcast_in_dim3A_35 : vector<1x8192xf32>
    %mul3A_37 = arith.mulf %mul3A_21, %mul3A_21 : vector<32x8192xf32>
    %reduce_sum3A_38 = arith.constant dense<0.000000e+00> : vector<8192xf32>
    %reduce_sum3A_39 = vector.multi_reduction <add>, %mul3A_37, %reduce_sum3A_38 [0] : vector<32x8192xf32> to vector<8192xf32>
    %broadcast_in_dim3A_40 = vector.shape_cast %reduce_sum3A_39 : vector<8192xf32> to vector<1x8192xf32>
    %mul3A_41 = arith.mulf %add3A_31, %add3A_31 : vector<64x8192xf32>
    %reduce_sum3A_42 = arith.constant dense<0.000000e+00> : vector<8192xf32>
    %reduce_sum3A_43 = vector.multi_reduction <add>, %mul3A_41, %reduce_sum3A_42 [0] : vector<64x8192xf32> to vector<8192xf32>
    %broadcast_in_dim3A_44 = vector.shape_cast %reduce_sum3A_43 : vector<8192xf32> to vector<1x8192xf32>
    %add3A_45 = arith.addf %broadcast_in_dim3A_40, %broadcast_in_dim3A_44 : vector<1x8192xf32>
    %mul3A_46 = arith.constant 0.010416667 : f32
    %mul3A_47 = vector.broadcast %mul3A_46 : f32 to vector<1x8192xf32>
    %mul3A_48 = arith.mulf %add3A_36, %mul3A_47 : vector<1x8192xf32>
    %mul3A_49 = arith.constant 0.010416667 : f32
    %mul3A_50 = vector.broadcast %mul3A_49 : f32 to vector<1x8192xf32>
    %mul3A_51 = arith.mulf %add3A_45, %mul3A_50 : vector<1x8192xf32>
    %mul3A_52 = arith.mulf %mul3A_48, %mul3A_48 : vector<1x8192xf32>
    %sub3A = arith.subf %mul3A_51, %mul3A_52 : vector<1x8192xf32>
    %add3A_53 = arith.constant 9.99999974E-6 : f32
    %add3A_54 = vector.broadcast %add3A_53 : f32 to vector<1x8192xf32>
    %add3A_55 = arith.addf %sub3A, %add3A_54 : vector<1x8192xf32>
    %rsqrt3A = math.rsqrt %add3A_55 : vector<1x8192xf32>
    %get3A_56 = arith.constant 0 : index
    %get3A_57 = arith.constant 0 : index
    %get3A_58 = vector.load %arg7[%get3A_56, %get3A_57] : memref<96x1xf32, #tpu.memory_space<vmem>>, vector<96x1xf32>
    %get3A_59 = arith.constant 0 : index
    %get3A_60 = arith.constant 0 : index
    %get3A_61 = vector.load %arg8[%get3A_59, %get3A_60] : memref<96x1xf32, #tpu.memory_space<vmem>>, vector<96x1xf32>
    %sub3A_62 = vector.broadcast %mul3A_48 : vector<1x8192xf32> to vector<32x8192xf32>
    %sub3A_63 = arith.subf %mul3A_21, %sub3A_62 : vector<32x8192xf32>
    %mul3A_64 = vector.broadcast %rsqrt3A : vector<1x8192xf32> to vector<32x8192xf32>
    %mul3A_65 = arith.mulf %sub3A_63, %mul3A_64 : vector<32x8192xf32>
    %slice3A = vector.extract_strided_slice %get3A_58 {offsets = [0, 0], sizes = [32, 1], strides = [1, 1]} : vector<96x1xf32> to vector<32x1xf32>
    %mul3A_66 = vector.broadcast %slice3A : vector<32x1xf32> to vector<32x8192xf32>
    %mul3A_67 = arith.mulf %mul3A_65, %mul3A_66 : vector<32x8192xf32>
    %slice3A_68 = vector.extract_strided_slice %get3A_61 {offsets = [0, 0], sizes = [32, 1], strides = [1, 1]} : vector<96x1xf32> to vector<32x1xf32>
    %add3A_69 = vector.broadcast %slice3A_68 : vector<32x1xf32> to vector<32x8192xf32>
    %add3A_70 = arith.addf %mul3A_67, %add3A_69 : vector<32x8192xf32>
    %sub3A_71 = vector.broadcast %mul3A_48 : vector<1x8192xf32> to vector<64x8192xf32>
    %sub3A_72 = arith.subf %add3A_31, %sub3A_71 : vector<64x8192xf32>
    %mul3A_73 = vector.broadcast %rsqrt3A : vector<1x8192xf32> to vector<64x8192xf32>
    %mul3A_74 = arith.mulf %sub3A_72, %mul3A_73 : vector<64x8192xf32>
    %slice3A_75 = vector.extract_strided_slice %get3A_58 {offsets = [32, 0], sizes = [64, 1], strides = [1, 1]} : vector<96x1xf32> to vector<64x1xf32>
    %mul3A_76 = vector.broadcast %slice3A_75 : vector<64x1xf32> to vector<64x8192xf32>
    %mul3A_77 = arith.mulf %mul3A_74, %mul3A_76 : vector<64x8192xf32>
    %slice3A_78 = vector.extract_strided_slice %get3A_61 {offsets = [32, 0], sizes = [64, 1], strides = [1, 1]} : vector<96x1xf32> to vector<64x1xf32>
    %add3A_79 = vector.broadcast %slice3A_78 : vector<64x1xf32> to vector<64x8192xf32>
    %add3A_80 = arith.addf %mul3A_77, %add3A_79 : vector<64x8192xf32>
    %concatenate3A = tpu.concatenate %add3A_70, %add3A_80 in 0 : vector<32x8192xf32>, vector<64x8192xf32> -> vector<96x8192xf32>
    %get3A_81 = arith.constant 0 : index
    %get3A_82 = arith.constant 0 : index
    %get3A_83 = vector.load %arg9[%get3A_81, %get3A_82] : memref<64x96xf32, #tpu.memory_space<vmem>>, vector<64x96xf32>
    %dot_general3A_84 = arith.constant dense<0.000000e+00> : vector<64x8192xf32>
    %dot_general3A_85 = tpu.matmul %get3A_83, %concatenate3A, %dot_general3A_84 {dimension_numbers = #tpu.dot_dimension_numbers<[1], [0], [0], [1], [0, 0, 1, 1], [], []>, transpose_lhs_hint = false} : vector<64x96xf32>, vector<96x8192xf32>, vector<64x8192xf32> -> vector<64x8192xf32>
    %get3A_86 = arith.constant 0 : index
    %get3A_87 = arith.constant 0 : index
    %get3A_88 = vector.load %arg10[%get3A_86, %get3A_87] : memref<64x1xf32, #tpu.memory_space<vmem>>, vector<64x1xf32>
    %add3A_89 = vector.broadcast %get3A_88 : vector<64x1xf32> to vector<64x8192xf32>
    %add3A_90 = arith.addf %dot_general3A_85, %add3A_89 : vector<64x8192xf32>
    %mul3A_91 = arith.constant 5.000000e-01 : f32
    %mul3A_92 = vector.broadcast %mul3A_91 : f32 to vector<64x8192xf32>
    %mul3A_93 = arith.mulf %mul3A_92, %add3A_90 : vector<64x8192xf32>
    %mul3A_94 = arith.constant 0.707106769 : f32
    %mul3A_95 = vector.broadcast %mul3A_94 : f32 to vector<64x8192xf32>
    %mul3A_96 = arith.mulf %add3A_90, %mul3A_95 : vector<64x8192xf32>
    %erf3A_97 = math.erf %mul3A_96 : vector<64x8192xf32>
    %add3A_98 = arith.constant 1.000000e+00 : f32
    %add3A_99 = vector.broadcast %add3A_98 : f32 to vector<64x8192xf32>
    %add3A_100 = arith.addf %add3A_99, %erf3A_97 : vector<64x8192xf32>
    %mul3A_101 = arith.mulf %mul3A_93, %add3A_100 : vector<64x8192xf32>
    %swap3A = arith.constant 0 : index
    %swap3A_102 = arith.constant 0 : index
    %swap3A_103 = vector.load %arg11[%swap3A, %swap3A_102] : memref<64x8192xf32, #tpu.memory_space<vmem>>, vector<64x8192xf32>
    tpu.vector_store %arg11[%swap3A, %swap3A_102], %mul3A_101 {strides = array<i32>} : memref<64x8192xf32, #tpu.memory_space<vmem>>, vector<64x8192xf32>,
    return
  }
  func.func @transform_0(%arg0: i32) -> (i32, i32) {
    %c0_i32 = arith.constant 0 : i32
    %c0_i32_0 = arith.constant 0 : i32
    return %c0_i32, %arg0 : i32, i32
  }
  func.func @transform_1(%arg0: i32) -> (i32, i32) {
    %c0_i32 = arith.constant 0 : i32
    %c0_i32_0 = arith.constant 0 : i32
    return %arg0, %c0_i32 : i32, i32
  }
  func.func @transform_2(%arg0: i32) -> (i32, i32) {
    %c0_i32 = arith.constant 0 : i32
    %c0_i32_0 = arith.constant 0 : i32
    %c0_i32_1 = arith.constant 0 : i32
    return %c0_i32, %c0_i32_0 : i32, i32
  }
  func.func @transform_3(%arg0: i32) -> (i32, i32) {
    %c0_i32 = arith.constant 0 : i32
    %c0_i32_0 = arith.constant 0 : i32
    %c0_i32_1 = arith.constant 0 : i32
    return %c0_i32, %c0_i32_0 : i32, i32
  }
  func.func @transform_4(%arg0: i32) -> (i32, i32) {
    %c0_i32 = arith.constant 0 : i32
    %c0_i32_0 = arith.constant 0 : i32
    %c0_i32_1 = arith.constant 0 : i32
    return %c0_i32, %c0_i32_0 : i32, i32
  }
  func.func @transform_5(%arg0: i32) -> (i32, i32) {
    %c0_i32 = arith.constant 0 : i32
    %c0_i32_0 = arith.constant 0 : i32
    %c0_i32_1 = arith.constant 0 : i32
    return %c0_i32, %c0_i32_0 : i32, i32
  }
  func.func @transform_6(%arg0: i32) -> (i32, i32) {
    %c0_i32 = arith.constant 0 : i32
    %c0_i32_0 = arith.constant 0 : i32
    %c0_i32_1 = arith.constant 0 : i32
    return %c0_i32, %c0_i32_0 : i32, i32
  }
  func.func @transform_7(%arg0: i32) -> (i32, i32) {
    %c0_i32 = arith.constant 0 : i32
    %c0_i32_0 = arith.constant 0 : i32
    %c0_i32_1 = arith.constant 0 : i32
    return %c0_i32, %c0_i32_0 : i32, i32
  }
  func.func @transform_8(%arg0: i32) -> (i32, i32) {
    %c0_i32 = arith.constant 0 : i32
    %c0_i32_0 = arith.constant 0 : i32
    %c0_i32_1 = arith.constant 0 : i32
    return %c0_i32, %c0_i32_0 : i32, i32
  }
  func.func @transform_9(%arg0: i32) -> (i32, i32) {
    %c0_i32 = arith.constant 0 : i32
    %c0_i32_0 = arith.constant 0 : i32
    %c0_i32_1 = arith.constant 0 : i32
    return %c0_i32, %c0_i32_0 : i32, i32
  }
  func.func @transform_10(%arg0: i32) -> (i32, i32) {
    %c0_i32 = arith.constant 0 : i32
    %c0_i32_0 = arith.constant 0 : i32
    return %c0_i32, %arg0 : i32, i32
  }
}

</mosaic_0001>

<sc_bundles>
// kernel: kernel.4.cloned.1.call-start
scs
__scs_entry_jumppad:
0x0: {  	(pc) =	sbr.rel $0x88, $3  }
0x1: {  	(tag) =	ssettag $0x0;
	lr =	simm.s32 $0x1  }
0x2: {  	[smem:$0x3F96] =	sst lr;
	_ =	strace $0xD0000000  }
0x3: {  	_ = 	snop  }
0x4: {  	_ = 	snop  }
0x5: {  	_ = 	snop  }
0x6: {  	_ = 	snop  }
0x7: {  	_ = 	snop  }
__scs_overlays_trampoline_lowered:
0x8: {  	[smem:$0x3FA5] =	sst s0  }
0x9: {  	[smem:$0x3FA6] =	sst s1  }
0xa: {  	[smem:$0x3FA7] =	sst s2  }
0xb: {  	[smem:$0x3FA8] =	sst s3  }
0xc: {  	[smem:$0x3FA9] =	sst s4  }
0xd: {  	[smem:$0x3FAA] =	sst s5  }
0xe: {  	[smem:$0x3FAB] =	sst s6  }
0xf: {  	[smem:$0x3FAC] =	sst s7  }
0x10: {  	[smem:$0x3FAD] =	sst s8  }
0x11: {  	[smem:$0x3FAE] =	sst s9;
	s0 =	simm.s32 @!p0 $0x0  }
0x12: {  	s1 =	sld [smem:$0x3F94];
	s0 =	simm.s32 @p0 $0x1  }
0x13: {  	[smem:$0x3FAF] =	sst s0;
	s0 =	simm.s32 @!p1 $0x0  }
0x14: {  	s2 =	sld [smem:$0x3F93];
	s0 =	simm.s32 @p1 $0x1  }
0x15: {  	[smem:$0x3FB0] =	sst s0;
	s0 =	simm.s32 @!p2 $0x0  }
0x16: {  	s3 =	sld [smem:$0x3FDB];
	s0 =	simm.s32 @p2 $0x1  }
0x17: {  	s4 =	simm.s32 $0x1BF5;
	[smem:$0x3FB2] =	sst s0  }
0x18: {  	s0 =	sld [smem:$0x3F95];
	_ =	swait.ge [sflag:s4], $0x0  }
0x19: {  	s7 =	sld [smem:$0x3F96]  }
0x1a: {  	s8 =	sadd.s32 $0xFFFFE003, lr  }
0x1b: {  	s9 =	sadd.s32 $0xFFFFFEF7, lr;
	s5 =	simm.s32 $0xFFFFFFFF;
	p2 =	slt.u32 s8, $0xFFFFF086  }
0x1c: {  	p1 =	slt.u32 s9, $0xF7A;
	s5 =	simm.s32 @!p2 $0x0  }
0x1d: {  	s5 =	simm.s32 @p1 $0x1;
	p0 =	seq.s32 s7, s2  }
0x1e: {  	s7 =	smul.u32 @!p0 $0xF7A, s2;
	p2 =	seq.s32 @!p0 s5, $0x0  }
0x1f: {  	s9 =	smul.u32 $0xF7A, s1;
	s8 =	simm.s32 @!p0 $0x1BF5;
	p2 =	por !p2, p0  }
0x20: {  	[sflag:s8] =	ssyncset.s32 @!p0 $0xFFFFF086;
	s6 =	sadd.s32 @!p0 s3, s7;
	s7 =	simm.s32 @!p0 $0x108  }
0x21: {  	s3 =	sadd.s32 s3, s9;
	s6 =	sadd.s32 @!p0 $0x88, s6;
	s7 =	simm.s32 @p2 $0x1082  }
0x22: {  	[simem:s7], [sflag:s8] =	dma.local @!p0 [hbm:s6], $0xF7A  }
0x23: {  	s9 =	sor.u32 $0xD0000000, s2;
	s6 =	simm.s32 $0x108;
	_ =	swait.ge @!p0 [sflag:s8], $0x0  }
0x24: {  	s3 =	sadd.s32 $0x88, s3;
	s6 =	simm.s32 @!p1 $0x1082;
	[sflag:s4] =	ssyncset.s32 $0xFFFFF086  }
0x25: {  	[simem:s6], [sflag:s4] =	dma.local [hbm:s3], $0xF7A  }
0x26: {  	[smem:$0x3F96] =	sst s1;
	(tag) =	ssettag s2;
	_ =	strace s9  }
0x27: {  	s1 =	sld [smem:$0x3FA6]  }
0x28: {  	s2 =	sld [smem:$0x3FA7]  }
0x29: {  	s4 =	sld [smem:$0x3FA9]  }
0x2a: {  	p0 =	seq.s32 s5, $0x0;
	s5 =	sld [smem:$0x3FAA]  }
0x2b: {  	s6 =	sld [smem:$0x3FAB]  }
0x2c: {  	s7 =	sld [smem:$0x3FAC]  }
0x2d: {  	s3 =	simm.s32 $0x108;
	s8 =	sld [smem:$0x3FAD]  }
0x2e: {  	s3 =	simm.s32 @!p0 $0x1082;
	s9 =	sld [smem:$0x3FAE]  }
0x2f: {  	lr =	sadd.s32 s0, s3;
	s0 =	sld [smem:$0x3FA5]  }
0x30: {  	s3 =	sld [smem:$0x3FA8]  }
0x31: {  	[smem:$0x3FB1] =	sst s10  }
0x32: {  	s10 =	sld [smem:$0x3FAF];
	_ =	sdelay $0x3  }
0x33: {  	p0 =	seq.s32 s10, $0x1;
	s10 =	sld [smem:$0x3FB1];
	_ =	sdelay $0x3  }
0x34: {  	[smem:$0x3FB1] =	sst s10  }
0x35: {  	s10 =	sld [smem:$0x3FB0];
	_ =	sdelay $0x3  }
0x36: {  	p1 =	seq.s32 s10, $0x1;
	s10 =	sld [smem:$0x3FB1];
	_ =	sdelay $0x3  }
0x37: {  	[smem:$0x3FB1] =	sst s10  }
0x38: {  	s10 =	sld [smem:$0x3FB2]  }
0x39: {  	_ = 	snop;
	(pc) =	sbr.ind lr, $3  }
0x3a: {  	_ = 	snop  }
0x3b: {  	_ = 	snop  }
0x3c: {  	p2 =	seq.s32 s10, $0x1;
	s10 =	sld [smem:$0x3FB1]  }
0x3d: {  	_ =	shalt  }
0x3e: {  	_ =	shalt  }
0x3f: {  	_ =	shalt  }
0x40: {  	_ =	shalt  }
0x41: {  	_ =	shalt  }
0x42: {  	_ =	shalt  }
0x43: {  	_ =	shalt  }
0x44: {  	_ =	shalt  }
0x45: {  	_ =	shalt  }
0x46: {  	_ =	shalt  }
0x47: {  	_ =	shalt  }
0x48: {  	_ =	shalt  }
0x49: {  	_ =	shalt  }
0x4a: {  	_ =	shalt  }
0x4b: {  	_ =	shalt  }
0x4c: {  	_ =	shalt  }
0x4d: {  	_ =	shalt  }
0x4e: {  	_ =	shalt  }
0x4f: {  	_ =	shalt  }
0x50: {  	_ =	shalt  }
0x51: {  	_ =	shalt  }
0x52: {  	_ =	shalt  }
0x53: {  	_ =	shalt  }
0x54: {  	_ =	shalt  }
0x55: {  	_ =	shalt  }
0x56: {  	_ =	shalt  }
0x57: {  	_ =	shalt  }
0x58: {  	_ =	shalt  }
0x59: {  	_ =	shalt  }
0x5a: {  	_ =	shalt  }
0x5b: {  	_ =	shalt  }
0x5c: {  	_ =	shalt  }
0x5d: {  	_ =	shalt  }
0x5e: {  	_ =	shalt  }
0x5f: {  	_ =	shalt  }
0x60: {  	_ =	shalt  }
0x61: {  	_ =	shalt  }
0x62: {  	_ =	shalt  }
0x63: {  	_ =	shalt  }
0x64: {  	_ =	shalt  }
0x65: {  	_ =	shalt  }
0x66: {  	_ =	shalt  }
0x67: {  	_ =	shalt  }
0x68: {  	_ =	shalt  }
0x69: {  	_ =	shalt  }
0x6a: {  	_ =	shalt  }
0x6b: {  	_ =	shalt  }
0x6c: {  	_ =	shalt  }
0x6d: {  	_ =	shalt  }
0x6e: {  	_ =	shalt  }
0x6f: {  	_ =	shalt  }
0x70: {  	_ =	shalt  }
0x71: {  	_ =	shalt  }
0x72: {  	_ =	shalt  }
0x73: {  	_ =	shalt  }
0x74: {  	_ =	shalt  }
0x75: {  	_ =	shalt  }
0x76: {  	_ =	shalt  }
0x77: {  	_ =	shalt  }
0x78: {  	_ =	shalt  }
0x79: {  	_ =	shalt  }
0x7a: {  	_ =	shalt  }
0x7b: {  	_ =	shalt  }
0x7c: {  	_ =	shalt  }
0x7d: {  	_ =	shalt  }
0x7e: {  	_ =	shalt  }
0x7f: {  	_ =	shalt  }
0x80: {  	_ =	shalt  }
0x81: {  	_ =	shalt  }
0x82: {  	_ =	shalt  }
0x83: {  	_ =	shalt  }
0x84: {  	_ =	shalt  }
0x85: {  	_ =	shalt  }
0x86: {  	_ =	shalt  }
0x87: {  	_ =	shalt  }
.Lfunc_end0:
.L_simem_size_0:
called_computation_lowered:
.L_overlay_start_0:
0x88: {  	s2 =	sld [smem:$0x3FD9]  }
0x89: {  	s3 =	sld [smem:$0x3FFE];
	_ =	sdelay $0x1  }
0x8a: {  	s1 =	srdreg.scid  }
0x8b: {  	s0 =	sand.u32 $0x1, s1  }
0x8c: {  	s17 =	sshll.u32 s0, $0xA;
	s2 =	sadd.s32 s3, s2  }
0x8d: {  	s2 =	sadd.s32 s2, s17  }
0x8e: {  	[smem:$0x3FBD] =	sst s2  }
0x8f: {  	_ = 	snop  }
0x90: {  	s2 =	sld [smem:$0x3FC9]  }
0x91: {  	s18 =	sld [smem:$0x3FC7]  }
0x92: {  	s4 =	sld [smem:$0x3FD0];
	(tm) =	ssettm $0x1  }
0x93: {  	s5 =	sld [smem:$0x3FFB];
	_ =	sdelay $0x3  }
0x94: {  	_ =	strace s5  }
0x95: {  	s5 =	sld [smem:$0x3FFC];
	_ =	sdelay $0x3  }
0x96: {  	_ =	strace s5  }
0x97: {  	s5 =	sld [smem:$0x3FFD];
	_ =	sdelay $0x3  }
0x98: {  	_ =	strace s5  }
0x99: {  	_ =	strace $0x8FFFFFFF  }
0x9a: {  	s19 =	sld [smem:$0x3FDB];
	_ =	sdelay $0x1  }
0x9b: {  	s6 =	simm.s32 $_scs_section_size  }
0x9c: {  	s7 =	simm.s32 $_size__tile_overlayer_lowered;
	s8 =	simm.s32 $_tile_overlayer_lowered  }
0x9d: {  	s22 =	simm.s32 $0x1BFF;
	s21 =	sshll.u32 s8, $0x1;
	s5 =	sadd.s32 s6, s19  }
0x9e: {  	s9 =	simm.s32 $0x0;
	s20 =	sshll.u32 s7, $0x1;
	s7 =	sadd.s32 s21, s5  }
0x9f: {  	[timem:s9], [sflag:s22] =	dma.local [hbm:s7], s20  }
0xa0: {  	_ =	swait.ge [sflag:s22], s20  }
0xa1: {  	s6 =	ssub.s32 $0x0, s20;
	[sflag:s22] =	ssyncset.done $0x0  }
0xa2: {  	[sflag:s22] =	ssyncadd.s32 s6;
	_ =	sdelay $0x1  }
0xa3: {  	s23 =	simm.s32 $0x1B8B  }
0xa4: {  	_ =	swait.ge [sflag:s23], $0x1  }
0xa5: {  	[sflag:s23] =	ssyncset.done $0x0  }
0xa6: {  	s25 =	simm.s32 $0x1B8E;
	s24 =	sld [smem:$0x3FFE];
	[sflag:s23] =	ssyncadd.s32 $0xFFFFFFFF  }
0xa7: {  	s26 =	simm.s32 $execute0_lowered;
	[smem:$0x3FD2] =	sst s25  }
0xa8: {  	s7 =	sshll.u32 s26, $0x1;
	_ =	strace $0x80000046;
	[dreg:$0x1] =	wrdreg $0xFFFFFFFF  }
0xa9: {  	s28 =	simm.s32 $_size_execute0_lowered;
	s5 =	sadd.s32 s5, s7;
	[dreg:$0x0] =	wrdreg $0x0  }
0xaa: {  	s7 =	sshll.u32 s28, $0x1;
	[dreg:$0x2] =	wrdreg s5  }
0xab: {  	[dreg:$0x3] =	wrdreg s7  }
0xac: {  	[dreg:$0x4] =	wrdreg $0xC0  }
0xad: {  	_ =	task [dreg:s9], $0x5FFFF  }
0xae: {  	[dreg:$0x1] =	wrdreg $0xFFFFFFFF  }
0xaf: {  	[dreg:$0x0] =	wrdreg $0x60  }
0xb0: {  	[dreg:$0x2] =	wrdreg s2  }
0xb1: {  	[dreg:$0x3] =	wrdreg s18  }
0xb2: {  	[dreg:$0x4] =	wrdreg s24  }
0xb3: {  	[dreg:$0x5] =	wrdreg s4  }
0xb4: {  	[dreg:$0x6] =	wrdreg $0x9  }
0xb5: {  	_ =	task.clear_ibuf [dreg:s9], $0x7FFFF;
	_ =	strace $0x90000046  }
0xb6: {  	s29 =	simm.s32 $0x9;
	_ =	strace $0x80000048  }
0xb7: {  	_ =	swait.ge [sflag:s29], $0x1  }
0xb8: {  	[sflag:s29] =	ssyncadd.s32 $0xFFFFFFFF  }
0xb9: {  	_ =	strace $0x90000048  }
0xba: {  	_ =	sfence  }
0xbb: {  	s30 =	sld [smem:$0x0];
	_ =	sdelay $0x2  }
0xbc: {  	s31 =	sshll.u32 s1, $0xD;
	s1 =	sshrl.u32 s1, $0x2  }
0xbd: {  	s3 =	sand.u32 $0x4000, s31;
	s1 =	sadd.s32 s1, s30  }
0xbe: {  	s0 =	sor.u32 s3, s0;
	s1 =	sshll.u32 s1, $0x11  }
0xbf: {  	s0 =	sor.u32 s1, s0  }
0xc0: {  	s0 =	sadd.s32 $0x8F2B, s0  }
0xc1: {  	[sflag:s0] =	ssyncadd.remote.s32 $0x1  }
0xc2: {  	_ =	sfence.sel $0xFFFF  }
0xc3: {  	[dreg:$0x0] =	wrdreg $0xFFFFFFFF;
	(pc) =	sbr.abs _section_cstart, $3  }
0xc4: {  	[dreg:$0x1] =	wrdreg $0xFFFFFFFF  }
0xc5: {  	_ =	task.clear_ibuf [dreg:s9], $0x2FFFF;
	_ =	strace $0x9FFFFFFF  }
0xc6: {  	(tm) =	ssettm $0x7FFFFFFF  }
0xc7: {  	_ =	shalt  }
tec
execute0_lowered:
.L_overlay_start_1:
0x0: {  	(tag) =	ssettag $0x1  }
0x1: {  	s1 =	rddreg [dreg:$0x0]  }
0x2: {  	s8 =	rddreg [dreg:$0x1]  }
0x3: {  	s3 =	rddreg [dreg:$0x2]  }
0x4: {  	s4 =	rddreg [dreg:$0x3];
	s2 =	simm.s32 $0x0  }
0x5: {  	[smem:$0x7FF] =	sst s2;
	s10 =	sadd.s32 $0x1A00, s3  }
0x6: {  	s11 =	sadd.s32 $0x4AD4, s3;
	_ =	strace $0x80000047;
	[dreg:$0x5] =	wrdreg s10  }
0x7: {  	s12 =	sadd.s32 $0x7BA8, s3;
	[dreg:$0x7] =	wrdreg s11  }
0x8: {  	s13 =	sadd.s32 $0xAC7C, s3;
	[dreg:$0x8] =	wrdreg s12  }
0x9: {  	s14 =	sadd.s32 $0xDD50, s3;
	[dreg:$0x9] =	wrdreg s13  }
0xa: {  	s15 =	sadd.s32 $0x10E24, s3;
	[dreg:$0xa] =	wrdreg s14  }
0xb: {  	s16 =	sadd.s32 $0x13EF8, s3;
	[dreg:$0xb] =	wrdreg s15  }
0xc: {  	s17 =	sadd.s32 $0x16FCC, s3;
	[dreg:$0xc] =	wrdreg s16  }
0xd: {  	s0 =	srdreg.scid;
	s18 =	sadd.s32 $0x1A0A0, s3;
	[dreg:$0xd] =	wrdreg s17  }
0xe: {  	s5 =	stileid.u32;
	s19 =	sadd.s32 $0x1D174, s3;
	[dreg:$0xe] =	wrdreg s18  }
0xf: {  	s0 =	sand.u32 $0x1, s0;
	s20 =	sadd.s32 $0x20248, s3;
	[dreg:$0xf] =	wrdreg s19  }
0x10: {  	s5 =	sshll.u32 s5, $0xA;
	s21 =	sadd.s32 $0x2331C, s3;
	[dreg:$0x10] =	wrdreg s20  }
0x11: {  	s22 =	sadd.s32 $0x263F0, s3;
	s23 =	sadd.s32 $0x294C4, s3;
	[dreg:$0x11] =	wrdreg s21  }
0x12: {  	s24 =	sadd.s32 $0x2C598, s3;
	s6 =	sshll.u32 s0, $0x9;
	[dreg:$0x12] =	wrdreg s22  }
0x13: {  	s25 =	sadd.s32 $0x2F66C, s3;
	[dreg:$0x13] =	wrdreg s23;
	s5 =	sor.u32 s6, s5  }
0x14: {  	[dreg:$0x14] =	wrdreg s24;
	s7 =	sshrl.u32 s5, $0x3;
	s5 =	sshll.u32 s5, $0x4  }
0x15: {  	[dreg:$0x15] =	wrdreg s25;
	s1 =	sadd.s32 s1, s7;
	s5 =	sadd.s32 s5, s3  }
0x16: {  	[dreg:$0x6] =	wrdreg s1;
	s26 =	sadd.s32 $0x32800, s5  }
0x17: {  	s31 =	sadd.s32 $0x33000, s5;
	[dreg:$0x16] =	wrdreg s26  }
0x18: {  	s3 =	sadd.s32 $0x33800, s5;
	[dreg:$0x17] =	wrdreg s31  }
0x19: {  	s10 =	sadd.s32 s4, s7;
	s6 =	sadd.s32 $0x34000, s5;
	[dreg:$0x18] =	wrdreg s3  }
0x1a: {  	s9 =	sadd.s32 $0x800, s10;
	[dreg:$0x19] =	wrdreg s6  }
0x1b: {  	s11 =	sadd.s32 $0x1000, s10;
	[dreg:$0x1a] =	wrdreg s9  }
0x1c: {  	s12 =	sadd.s32 $0x1800, s10;
	[dreg:$0x1b] =	wrdreg s11  }
0x1d: {  	s13 =	sadd.s32 $0x2000, s10;
	[dreg:$0x1c] =	wrdreg s12  }
0x1e: {  	s14 =	sadd.s32 $0x2800, s10;
	[dreg:$0x1d] =	wrdreg s13  }
0x1f: {  	s15 =	sadd.s32 $0x3000, s10;
	[dreg:$0x1e] =	wrdreg s14  }
0x20: {  	s28 =	simm.s32 $0x6200;
	s16 =	sadd.s32 $0x3800, s10;
	[dreg:$0x1f] =	wrdreg s15  }
0x21: {  	p0 =	por $0x0, $0x0;
	s17 =	sadd.s32 $0x4000, s10;
	[smem:$0x7F3] =	sst s16  }
0x22: {  	s30 =	simm.s32 $0x3;
	s18 =	sadd.s32 $0x4800, s10;
	[smem:$0x7F4] =	sst s17  }
0x23: {  	s29 =	simm.s32 $0x4;
	s19 =	sadd.s32 $0x5000, s10;
	[smem:$0x7F5] =	sst s18  }
0x24: {  	s0 =	ssub.s32 $0x2, s0;
	s20 =	sadd.s32 $0x5800, s10;
	[smem:$0x7F6] =	sst s19  }
0x25: {  	s23 =	sshrl.u32 s0, $0x1;
	s21 =	sadd.s32 $0x6000, s10;
	[smem:$0x7F7] =	sst s20  }
0x26: {  	s0 =	ssub.s32 s0, s23;
	s22 =	sadd.s32 $0x6800, s10;
	[smem:$0x7F8] =	sst s21  }
0x27: {  	s23 =	simm.s32 $0x600;
	s24 =	sadd.s32 $0x7000, s10;
	[smem:$0x7F9] =	sst s22  }
0x28: {  	s7 =	simm.s32 $0x5;
	s25 =	sadd.s32 $0x7800, s10;
	[smem:$0x7FA] =	sst s24  }
0x29: {  	s1 =	simm.s32 $0x1;
	[smem:$0x7FB] =	sst s25;
	s3 =	smax.u32 s0, $0x1  }
0x2a: {  	s0 =	simm.s32 $0x80;
	s26 =	simm.s32 $0x100;
	s31 =	simm.s32 $0x180  }
0x2b: {  	s25 =	simm.s32 $0xE200;
	s22 =	simm.s32 $0x200;
	s24 =	simm.s32 $0x400  }
0x2c: {  	s21 =	simm.s32 $0x800;
	s20 =	simm.s32 $0xA00;
	s19 =	simm.s32 $0xC00  }
0x2d: {  	s18 =	simm.s32 $0xE00;
	s17 =	simm.s32 $0x1000;
	p1 =	sne.s32 s3, $0x1  }
.Ltmp0:
0x2e: {  	s16 =	simm.s32 $0x1200;
	s15 =	simm.s32 $0x1400;
	(pc) =	sbr.rel @!p1 .LBB2_3-.Ltmp0, $4  }
0x2f: {  	s14 =	simm.s32 $0x1600;
	s13 =	simm.s32 $0x1800;
	s12 =	simm.s32 $0x1A00  }
0x30: {  	s11 =	simm.s32 $0x1C00;
	s9 =	simm.s32 $0x1E00;
	s5 =	rddreg [dreg:$0x6]  }
0x31: {  	s6 =	simm.s32 $0x2000;
	[smem:$0x7FC] =	sst s26;
	s26 =	simm.s32 $0xA200  }
0x32: {  	[smem:$0x7FD] =	sst s31;
	s4 =	sadd.s32 $0xFFFFFFFF, s3;
	s3 =	simm.s32 $0x6  }
0x33: {  	[tilespmem:s2], [sflag:$0x7] =	stream.linear.gather [hbm4b:s5+s2], $0x200, $0x38;
	[tilespmem:$0x12200] =	vst v63  }
0x34: {  	[smem:$0x7F2] =	sst s4;
	s31 =	simm.s32 $0x7  }
0x35: {  	_ =	swait.ge [sflag:s31], $0x200  }
0x36: {  	[sflag:s31] =	ssyncset.done $0x0  }
0x37: {  	[sflag:s31] =	ssyncadd.s32 $0xFFFFFE00;
	s31 =	simm.s32 $0x2200  }
0x38: {  	[tilespmem:s31], [sflag:$0x1] =	stream.indirect.gather [hbm4b:s8+s0], $0x80, s2, s0, $0xb8;
	[tilespmem:$0x12200] =	vst v63  }
0x39: {  	s5 =	sld [smem:$0x7FC]  }
0x3a: {  	[tilespmem:s28], [sflag:$0x2] =	stream.indirect.gather [hbm4b:s8+s0], $0x80, s0, s0, $0xb8;
	[tilespmem:$0x12200] =	vst v63  }
0x3b: {  	s4 =	sld [smem:$0x7FD]  }
0x3c: {  	[tilespmem:s26], [sflag:$0x3] =	stream.indirect.gather [hbm4b:s8+s0], $0x80, s5, s0, $0xb8;
	[tilespmem:$0x12200] =	vst v63  }
0x3d: {  	_ = 	snop  }
0x3e: {  	[tilespmem:s25], [sflag:$0x4] =	stream.indirect.gather [hbm4b:s8+s0], $0x80, s4, s0, $0xb8;
	[tilespmem:$0x12200] =	vst v63  }
0x3f: {  	s5 =	rddreg [dreg:$0x5]  }
0x40: {  	[tilespmem:s22], [sflag:$0x5] =	stream.indirect.gather [hbm4b:s5+s22], $0x1, s2, s22, $0xb8;
	[tilespmem:$0x12200] =	vst v63  }
0x41: {  	s4 =	rddreg [dreg:$0x7]  }
0x42: {  	[tilespmem:s24], [sflag:$0x5] =	stream.indirect.gather [hbm4b:s4+s22], $0x1, s2, s22, $0xb8;
	[tilespmem:$0x12200] =	vst v63  }
0x43: {  	s5 =	rddreg [dreg:$0x8]  }
0x44: {  	[tilespmem:s23], [sflag:$0x5] =	stream.indirect.gather [hbm4b:s5+s22], $0x1, s2, s22, $0xb8;
	[tilespmem:$0x12200] =	vst v63  }
0x45: {  	s4 =	rddreg [dreg:$0x9]  }
0x46: {  	[tilespmem:s21], [sflag:$0x5] =	stream.indirect.gather [hbm4b:s4+s22], $0x1, s2, s22, $0xb8;
	[tilespmem:$0x12200] =	vst v63  }
0x47: {  	s5 =	rddreg [dreg:$0xa]  }
0x48: {  	[tilespmem:s20], [sflag:$0x5] =	stream.indirect.gather [hbm4b:s5+s22], $0x1, s2, s22, $0xb8;
	[tilespmem:$0x12200] =	vst v63  }
0x49: {  	s4 =	rddreg [dreg:$0xb]  }
0x4a: {  	[tilespmem:s19], [sflag:$0x5] =	stream.indirect.gather [hbm4b:s4+s22], $0x1, s2, s22, $0xb8;
	[tilespmem:$0x12200] =	vst v63  }
0x4b: {  	s5 =	rddreg [dreg:$0xc]  }
0x4c: {  	[tilespmem:s18], [sflag:$0x5] =	stream.indirect.gather [hbm4b:s5+s22], $0x1, s2, s22, $0xb8;
	[tilespmem:$0x12200] =	vst v63  }
0x4d: {  	s4 =	rddreg [dreg:$0xd]  }
0x4e: {  	[tilespmem:s17], [sflag:$0x5] =	stream.indirect.gather [hbm4b:s4+s22], $0x1, s2, s22, $0xb8;
	[tilespmem:$0x12200] =	vst v63  }
0x4f: {  	s5 =	rddreg [dreg:$0xe]  }
0x50: {  	[tilespmem:s16], [sflag:$0x5] =	stream.indirect.gather [hbm4b:s5+s22], $0x1, s2, s22, $0xb8;
	[tilespmem:$0x12200] =	vst v63  }
0x51: {  	s4 =	rddreg [dreg:$0xf]  }
0x52: {  	[tilespmem:s15], [sflag:$0x5] =	stream.indirect.gather [hbm4b:s4+s22], $0x1, s2, s22, $0xb8;
	[tilespmem:$0x12200] =	vst v63  }
0x53: {  	s5 =	rddreg [dreg:$0x10]  }
0x54: {  	[tilespmem:s14], [sflag:$0x5] =	stream.indirect.gather [hbm4b:s5+s22], $0x1, s2, s22, $0xb8;
	[tilespmem:$0x12200] =	vst v63  }
0x55: {  	s4 =	rddreg [dreg:$0x11]  }
0x56: {  	[tilespmem:s13], [sflag:$0x5] =	stream.indirect.gather [hbm4b:s4+s22], $0x1, s2, s22, $0xb8;
	[tilespmem:$0x12200] =	vst v63  }
0x57: {  	s5 =	rddreg [dreg:$0x12]  }
0x58: {  	[tilespmem:s12], [sflag:$0x5] =	stream.indirect.gather [hbm4b:s5+s22], $0x1, s2, s22, $0xb8;
	[tilespmem:$0x12200] =	vst v63  }
0x59: {  	s4 =	rddreg [dreg:$0x13]  }
0x5a: {  	[tilespmem:s11], [sflag:$0x5] =	stream.indirect.gather [hbm4b:s4+s22], $0x1, s2, s22, $0xb8;
	[tilespmem:$0x12200] =	vst v63  }
0x5b: {  	s5 =	rddreg [dreg:$0x14]  }
0x5c: {  	[tilespmem:s9], [sflag:$0x5] =	stream.indirect.gather [hbm4b:s5+s22], $0x1, s2, s22, $0xb8;
	[tilespmem:$0x12200] =	vst v63  }
0x5d: {  	s4 =	rddreg [dreg:$0x15]  }
0x5e: {  	[tilespmem:s6], [sflag:$0x5] =	stream.indirect.gather [hbm4b:s4+s22], $0x1, s2, s22, $0xb8;
	[tilespmem:$0x12200] =	vst v63  }
0x5f: {  	_ =	swait.ge [sflag:s1], $0x4000  }
0x60: {  	[sflag:s1] =	ssyncset.done $0x0  }
0x61: {  	s4 =	simm.s32 $0x2;
	s5 =	rddreg [dreg:$0x16];
	[sflag:s1] =	ssyncadd.s32 $0xFFFFC000  }
0x62: {  	[hbm4b:s5+s2] =	stream.linear.scatter [tilespmem:s31], [sflag:$0x6], $0x4000, $0x38;
	[tilespmem:$0x12200] =	vst v63  }
0x63: {  	_ =	swait.ge [sflag:s4], $0x4000  }
0x64: {  	[sflag:s4] =	ssyncset.done $0x0  }
0x65: {  	s31 =	rddreg [dreg:$0x17];
	[sflag:s4] =	ssyncadd.s32 $0xFFFFC000  }
0x66: {  	[hbm4b:s31+s2] =	stream.linear.scatter [tilespmem:s28], [sflag:$0x6], $0x4000, $0x38;
	[tilespmem:$0x12200] =	vst v63  }
0x67: {  	_ =	swait.ge [sflag:s30], $0x4000  }
0x68: {  	[sflag:s30] =	ssyncset.done $0x0  }
0x69: {  	s5 =	rddreg [dreg:$0x18];
	[sflag:s30] =	ssyncadd.s32 $0xFFFFC000  }
0x6a: {  	[hbm4b:s5+s2] =	stream.linear.scatter [tilespmem:s26], [sflag:$0x6], $0x4000, $0x38;
	[tilespmem:$0x12200] =	vst v63  }
0x6b: {  	_ =	swait.ge [sflag:s29], $0x4000  }
0x6c: {  	[sflag:s29] =	ssyncset.done $0x0  }
0x6d: {  	s31 =	rddreg [dreg:$0x19];
	[sflag:s29] =	ssyncadd.s32 $0xFFFFC000  }
0x6e: {  	[hbm4b:s31+s2] =	stream.linear.scatter [tilespmem:s25], [sflag:$0x6], $0x4000, $0x38;
	[tilespmem:$0x12200] =	vst v63  }
0x6f: {  	_ =	swait.ge [sflag:s7], $0x200  }
0x70: {  	[sflag:s7] =	ssyncset.done $0x0  }
0x71: {  	[sflag:s7] =	ssyncadd.s32 $0xFFFFFE00  }
0x72: {  	[hbm4b:s10+s2] =	stream.linear.scatter [tilespmem:s22], [sflag:$0x6], $0x200, $0x38;
	[tilespmem:$0x12200] =	vst v63  }
0x73: {  	_ =	swait.ge [sflag:s7], $0x200  }
0x74: {  	[sflag:s7] =	ssyncset.done $0x0  }
0x75: {  	s5 =	rddreg [dreg:$0x1a];
	[sflag:s7] =	ssyncadd.s32 $0xFFFFFE00  }
0x76: {  	[hbm4b:s5+s2] =	stream.linear.scatter [tilespmem:s24], [sflag:$0x6], $0x200, $0x38;
	[tilespmem:$0x12200] =	vst v63  }
0x77: {  	_ =	swait.ge [sflag:s7], $0x200  }
0x78: {  	[sflag:s7] =	ssyncset.done $0x0  }
0x79: {  	s31 =	rddreg [dreg:$0x1b];
	[sflag:s7] =	ssyncadd.s32 $0xFFFFFE00  }
0x7a: {  	[hbm4b:s31+s2] =	stream.linear.scatter [tilespmem:s23], [sflag:$0x6], $0x200, $0x38;
	[tilespmem:$0x12200] =	vst v63  }
0x7b: {  	_ =	swait.ge [sflag:s7], $0x200  }
0x7c: {  	[sflag:s7] =	ssyncset.done $0x0  }
0x7d: {  	s5 =	rddreg [dreg:$0x1c];
	[sflag:s7] =	ssyncadd.s32 $0xFFFFFE00  }
0x7e: {  	[hbm4b:s5+s2] =	stream.linear.scatter [tilespmem:s21], [sflag:$0x6], $0x200, $0x38;
	[tilespmem:$0x12200] =	vst v63  }
0x7f: {  	_ =	swait.ge [sflag:s7], $0x200  }
0x80: {  	[sflag:s7] =	ssyncset.done $0x0  }
0x81: {  	s31 =	rddreg [dreg:$0x1d];
	[sflag:s7] =	ssyncadd.s32 $0xFFFFFE00  }
0x82: {  	[hbm4b:s31+s2] =	stream.linear.scatter [tilespmem:s20], [sflag:$0x6], $0x200, $0x38;
	[tilespmem:$0x12200] =	vst v63  }
0x83: {  	_ =	swait.ge [sflag:s7], $0x200  }
0x84: {  	[sflag:s7] =	ssyncset.done $0x0  }
0x85: {  	s5 =	rddreg [dreg:$0x1e];
	[sflag:s7] =	ssyncadd.s32 $0xFFFFFE00  }
0x86: {  	[hbm4b:s5+s2] =	stream.linear.scatter [tilespmem:s19], [sflag:$0x6], $0x200, $0x38;
	[tilespmem:$0x12200] =	vst v63  }
0x87: {  	_ =	swait.ge [sflag:s7], $0x200  }
0x88: {  	[sflag:s7] =	ssyncset.done $0x0  }
0x89: {  	s31 =	rddreg [dreg:$0x1f];
	[sflag:s7] =	ssyncadd.s32 $0xFFFFFE00  }
0x8a: {  	[hbm4b:s31+s2] =	stream.linear.scatter [tilespmem:s18], [sflag:$0x6], $0x200, $0x38;
	[tilespmem:$0x12200] =	vst v63  }
0x8b: {  	_ =	swait.ge [sflag:s7], $0x200  }
0x8c: {  	s5 =	sld [smem:$0x7F3]  }
0x8d: {  	[sflag:s7] =	ssyncset.done $0x0  }
0x8e: {  	[sflag:s7] =	ssyncadd.s32 $0xFFFFFE00  }
0x8f: {  	[hbm4b:s5+s2] =	stream.linear.scatter [tilespmem:s17], [sflag:$0x6], $0x200, $0x38;
	[tilespmem:$0x12200] =	vst v63  }
0x90: {  	_ =	swait.ge [sflag:s7], $0x200  }
0x91: {  	s31 =	sld [smem:$0x7F4]  }
0x92: {  	[sflag:s7] =	ssyncset.done $0x0  }
0x93: {  	[sflag:s7] =	ssyncadd.s32 $0xFFFFFE00  }
0x94: {  	[hbm4b:s31+s2] =	stream.linear.scatter [tilespmem:s16], [sflag:$0x6], $0x200, $0x38;
	[tilespmem:$0x12200] =	vst v63  }
0x95: {  	_ =	swait.ge [sflag:s7], $0x200  }
0x96: {  	s5 =	sld [smem:$0x7F5]  }
0x97: {  	[sflag:s7] =	ssyncset.done $0x0  }
0x98: {  	[sflag:s7] =	ssyncadd.s32 $0xFFFFFE00  }
0x99: {  	[hbm4b:s5+s2] =	stream.linear.scatter [tilespmem:s15], [sflag:$0x6], $0x200, $0x38;
	[tilespmem:$0x12200] =	vst v63  }
0x9a: {  	_ =	swait.ge [sflag:s7], $0x200  }
0x9b: {  	s31 =	sld [smem:$0x7F6]  }
0x9c: {  	[sflag:s7] =	ssyncset.done $0x0  }
0x9d: {  	[sflag:s7] =	ssyncadd.s32 $0xFFFFFE00  }
0x9e: {  	[hbm4b:s31+s2] =	stream.linear.scatter [tilespmem:s14], [sflag:$0x6], $0x200, $0x38;
	[tilespmem:$0x12200] =	vst v63  }
0x9f: {  	_ =	swait.ge [sflag:s7], $0x200  }
0xa0: {  	s5 =	sld [smem:$0x7F7]  }
0xa1: {  	[sflag:s7] =	ssyncset.done $0x0  }
0xa2: {  	[sflag:s7] =	ssyncadd.s32 $0xFFFFFE00  }
0xa3: {  	[hbm4b:s5+s2] =	stream.linear.scatter [tilespmem:s13], [sflag:$0x6], $0x200, $0x38;
	[tilespmem:$0x12200] =	vst v63  }
0xa4: {  	_ =	swait.ge [sflag:s7], $0x200  }
0xa5: {  	s31 =	sld [smem:$0x7F8]  }
0xa6: {  	[sflag:s7] =	ssyncset.done $0x0  }
0xa7: {  	[sflag:s7] =	ssyncadd.s32 $0xFFFFFE00  }
0xa8: {  	[hbm4b:s31+s2] =	stream.linear.scatter [tilespmem:s12], [sflag:$0x6], $0x200, $0x38;
	[tilespmem:$0x12200] =	vst v63  }
0xa9: {  	_ =	swait.ge [sflag:s7], $0x200  }
0xaa: {  	s5 =	sld [smem:$0x7F9]  }
0xab: {  	[sflag:s7] =	ssyncset.done $0x0  }
0xac: {  	[sflag:s7] =	ssyncadd.s32 $0xFFFFFE00  }
0xad: {  	[hbm4b:s5+s2] =	stream.linear.scatter [tilespmem:s11], [sflag:$0x6], $0x200, $0x38;
	[tilespmem:$0x12200] =	vst v63  }
0xae: {  	_ =	swait.ge [sflag:s7], $0x200  }
0xaf: {  	s31 =	sld [smem:$0x7FA]  }
0xb0: {  	[sflag:s7] =	ssyncset.done $0x0  }
0xb1: {  	[sflag:s7] =	ssyncadd.s32 $0xFFFFFE00  }
0xb2: {  	[hbm4b:s31+s2] =	stream.linear.scatter [tilespmem:s9], [sflag:$0x6], $0x200, $0x38;
	[tilespmem:$0x12200] =	vst v63  }
0xb3: {  	_ =	swait.ge [sflag:s7], $0x200  }
0xb4: {  	s5 =	sld [smem:$0x7FB]  }
0xb5: {  	[sflag:s7] =	ssyncset.done $0x0  }
0xb6: {  	[sflag:s7] =	ssyncadd.s32 $0xFFFFFE00  }
0xb7: {  	[hbm4b:s5+s2] =	stream.linear.scatter [tilespmem:s6], [sflag:$0x6], $0x200, $0x38;
	[tilespmem:$0x12200] =	vst v63  }
0xb8: {  	_ =	swait.ge [sflag:s3], $0x4000  }
0xb9: {  	[sflag:s3] =	ssyncset.done $0x0  }
0xba: {  	[sflag:s3] =	ssyncadd.s32 $0xFFFFC000  }
0xbb: {  	_ =	swait.ge [sflag:s3], $0x4000  }
0xbc: {  	[sflag:s3] =	ssyncset.done $0x0  }
0xbd: {  	[sflag:s3] =	ssyncadd.s32 $0xFFFFC000  }
0xbe: {  	_ =	swait.ge [sflag:s3], $0x4000  }
0xbf: {  	[sflag:s3] =	ssyncset.done $0x0  }
0xc0: {  	[sflag:s3] =	ssyncadd.s32 $0xFFFFC000  }
0xc1: {  	_ =	swait.ge [sflag:s3], $0x4000  }
0xc2: {  	[sflag:s3] =	ssyncset.done $0x0  }
0xc3: {  	[sflag:s3] =	ssyncadd.s32 $0xFFFFC000  }
0xc4: {  	_ =	swait.ge [sflag:s3], $0x200  }
0xc5: {  	[sflag:s3] =	ssyncset.done $0x0  }
0xc6: {  	[sflag:s3] =	ssyncadd.s32 $0xFFFFFE00  }
0xc7: {  	_ =	swait.ge [sflag:s3], $0x200  }
0xc8: {  	[sflag:s3] =	ssyncset.done $0x0  }
0xc9: {  	[sflag:s3] =	ssyncadd.s32 $0xFFFFFE00  }
0xca: {  	_ =	swait.ge [sflag:s3], $0x200  }
0xcb: {  	[sflag:s3] =	ssyncset.done $0x0  }
0xcc: {  	[sflag:s3] =	ssyncadd.s32 $0xFFFFFE00  }
0xcd: {  	_ =	swait.ge [sflag:s3], $0x200  }
0xce: {  	[sflag:s3] =	ssyncset.done $0x0  }
0xcf: {  	[sflag:s3] =	ssyncadd.s32 $0xFFFFFE00  }
0xd0: {  	_ =	swait.ge [sflag:s3], $0x200  }
0xd1: {  	[sflag:s3] =	ssyncset.done $0x0  }
0xd2: {  	[sflag:s3] =	ssyncadd.s32 $0xFFFFFE00  }
0xd3: {  	_ =	swait.ge [sflag:s3], $0x200  }
0xd4: {  	[sflag:s3] =	ssyncset.done $0x0  }
0xd5: {  	[sflag:s3] =	ssyncadd.s32 $0xFFFFFE00  }
0xd6: {  	_ =	swait.ge [sflag:s3], $0x200  }
0xd7: {  	[sflag:s3] =	ssyncset.done $0x0  }
0xd8: {  	[sflag:s3] =	ssyncadd.s32 $0xFFFFFE00  }
0xd9: {  	_ =	swait.ge [sflag:s3], $0x200  }
0xda: {  	[sflag:s3] =	ssyncset.done $0x0  }
0xdb: {  	[sflag:s3] =	ssyncadd.s32 $0xFFFFFE00  }
0xdc: {  	_ =	swait.ge [sflag:s3], $0x200  }
0xdd: {  	[sflag:s3] =	ssyncset.done $0x0  }
0xde: {  	[sflag:s3] =	ssyncadd.s32 $0xFFFFFE00  }
0xdf: {  	_ =	swait.ge [sflag:s3], $0x200  }
0xe0: {  	[sflag:s3] =	ssyncset.done $0x0  }
0xe1: {  	[sflag:s3] =	ssyncadd.s32 $0xFFFFFE00  }
0xe2: {  	_ =	swait.ge [sflag:s3], $0x200  }
0xe3: {  	[sflag:s3] =	ssyncset.done $0x0  }
0xe4: {  	[sflag:s3] =	ssyncadd.s32 $0xFFFFFE00  }
0xe5: {  	_ =	swait.ge [sflag:s3], $0x200  }
0xe6: {  	[sflag:s3] =	ssyncset.done $0x0  }
0xe7: {  	[sflag:s3] =	ssyncadd.s32 $0xFFFFFE00  }
0xe8: {  	_ =	swait.ge [sflag:s3], $0x200  }
0xe9: {  	[sflag:s3] =	ssyncset.done $0x0  }
0xea: {  	[sflag:s3] =	ssyncadd.s32 $0xFFFFFE00  }
0xeb: {  	_ =	swait.ge [sflag:s3], $0x200  }
0xec: {  	[sflag:s3] =	ssyncset.done $0x0  }
0xed: {  	[sflag:s3] =	ssyncadd.s32 $0xFFFFFE00  }
0xee: {  	_ =	swait.ge [sflag:s3], $0x200  }
0xef: {  	s31 =	sld [smem:$0x7F2];
	_ =	sdelay $0x2  }
0xf0: {  	p1 =	sne.s32 s31, $0x1  }
.Ltmp1:
0xf1: {  	_ = 	snop;
	(pc) =	sbr.rel @!p1 .LBB2_3-.Ltmp1, $4  }
0xf2: {  	[sflag:s3] =	ssyncset.done $0x0  }
0xf3: {  	[sflag:s3] =	ssyncadd.s32 $0xFFFFFE00  }
0xf4: {  	p0 =	por $0x1, $0x1;
	_ =	swait.ge [sflag:s3], $0x200  }
0xf5: {  	s4 =	sadd.s32 $0xFFFFFFFF, s31;
	s5 =	rddreg [dreg:$0x6];
	[sflag:s3] =	ssyncset.done $0x0  }
.LBB2_2:
0xf6: {  	[sflag:s3] =	ssyncadd.s32 $0xFFFFFE00;
	s26 =	simm.s32 $0x7  }
0xf7: {  	[tilespmem:s2], [sflag:$0x7] =	stream.linear.gather [hbm4b:s5+s2], $0x200, $0x38;
	[tilespmem:$0x12200] =	vst v63  }
0xf8: {  	_ =	swait.ge [sflag:s26], $0x200  }
0xf9: {  	[sflag:s26] =	ssyncset.done $0x0  }
0xfa: {  	s31 =	simm.s32 $0x2200;
	[sflag:s26] =	ssyncadd.s32 $0xFFFFFE00  }
0xfb: {  	[tilespmem:s31], [sflag:$0x1] =	stream.indirect.gather [hbm4b:s8+s0], $0x80, s2, s0, $0xb8;
	[tilespmem:$0x12200] =	vst v63  }
0xfc: {  	s5 =	sld [smem:$0x7FC]  }
0xfd: {  	[tilespmem:s28], [sflag:$0x2] =	stream.indirect.gather [hbm4b:s8+s0], $0x80, s0, s0, $0xb8;
	[tilespmem:$0x12200] =	vst v63  }
0xfe: {  	s6 =	sld [smem:$0x7FD];
	s28 =	simm.s32 $0xA200  }
0xff: {  	[tilespmem:s28], [sflag:$0x3] =	stream.indirect.gather [hbm4b:s8+s0], $0x80, s5, s0, $0xb8;
	[tilespmem:$0x12200] =	vst v63  }
0x100: {  	s26 =	simm.s32 $0xE200  }
0x101: {  	[tilespmem:s26], [sflag:$0x4] =	stream.indirect.gather [hbm4b:s8+s0], $0x80, s6, s0, $0xb8;
	[tilespmem:$0x12200] =	vst v63  }
0x102: {  	s5 =	rddreg [dreg:$0x5]  }
0x103: {  	[tilespmem:s22], [sflag:$0x5] =	stream.indirect.gather [hbm4b:s5+s22], $0x1, s2, s22, $0xb8;
	[tilespmem:$0x12200] =	vst v63  }
0x104: {  	s25 =	simm.s32 $0x400;
	s6 =	rddreg [dreg:$0x7]  }
0x105: {  	[tilespmem:s25], [sflag:$0x5] =	stream.indirect.gather [hbm4b:s6+s22], $0x1, s2, s22, $0xb8;
	[tilespmem:$0x12200] =	vst v63  }
0x106: {  	s24 =	simm.s32 $0x600;
	s5 =	rddreg [dreg:$0x8]  }
0x107: {  	[tilespmem:s24], [sflag:$0x5] =	stream.indirect.gather [hbm4b:s5+s22], $0x1, s2, s22, $0xb8;
	[tilespmem:$0x12200] =	vst v63  }
0x108: {  	s23 =	simm.s32 $0x800;
	s6 =	rddreg [dreg:$0x9]  }
0x109: {  	[tilespmem:s23], [sflag:$0x5] =	stream.indirect.gather [hbm4b:s6+s22], $0x1, s2, s22, $0xb8;
	[tilespmem:$0x12200] =	vst v63  }
0x10a: {  	s21 =	simm.s32 $0xA00;
	s5 =	rddreg [dreg:$0xa]  }
0x10b: {  	[tilespmem:s21], [sflag:$0x5] =	stream.indirect.gather [hbm4b:s5+s22], $0x1, s2, s22, $0xb8;
	[tilespmem:$0x12200] =	vst v63  }
0x10c: {  	s20 =	simm.s32 $0xC00;
	s6 =	rddreg [dreg:$0xb]  }
0x10d: {  	[tilespmem:s20], [sflag:$0x5] =	stream.indirect.gather [hbm4b:s6+s22], $0x1, s2, s22, $0xb8;
	[tilespmem:$0x12200] =	vst v63  }
0x10e: {  	s19 =	simm.s32 $0xE00;
	s5 =	rddreg [dreg:$0xc]  }
0x10f: {  	[tilespmem:s19], [sflag:$0x5] =	stream.indirect.gather [hbm4b:s5+s22], $0x1, s2, s22, $0xb8;
	[tilespmem:$0x12200] =	vst v63  }
0x110: {  	s18 =	simm.s32 $0x1000;
	s6 =	rddreg [dreg:$0xd]  }
0x111: {  	[tilespmem:s18], [sflag:$0x5] =	stream.indirect.gather [hbm4b:s6+s22], $0x1, s2, s22, $0xb8;
	[tilespmem:$0x12200] =	vst v63  }
0x112: {  	s17 =	simm.s32 $0x1200;
	s5 =	rddreg [dreg:$0xe]  }
0x113: {  	[tilespmem:s17], [sflag:$0x5] =	stream.indirect.gather [hbm4b:s5+s22], $0x1, s2, s22, $0xb8;
	[tilespmem:$0x12200] =	vst v63  }
0x114: {  	s16 =	simm.s32 $0x1400;
	s6 =	rddreg [dreg:$0xf]  }
0x115: {  	[tilespmem:s16], [sflag:$0x5] =	stream.indirect.gather [hbm4b:s6+s22], $0x1, s2, s22, $0xb8;
	[tilespmem:$0x12200] =	vst v63  }
0x116: {  	s15 =	simm.s32 $0x1600;
	s5 =	rddreg [dreg:$0x10]  }
0x117: {  	[tilespmem:s15], [sflag:$0x5] =	stream.indirect.gather [hbm4b:s5+s22], $0x1, s2, s22, $0xb8;
	[tilespmem:$0x12200] =	vst v63  }
0x118: {  	s14 =	simm.s32 $0x1800;
	s6 =	rddreg [dreg:$0x11]  }
0x119: {  	[tilespmem:s14], [sflag:$0x5] =	stream.indirect.gather [hbm4b:s6+s22], $0x1, s2, s22, $0xb8;
	[tilespmem:$0x12200] =	vst v63  }
0x11a: {  	s13 =	simm.s32 $0x1A00;
	s5 =	rddreg [dreg:$0x12]  }
0x11b: {  	[tilespmem:s13], [sflag:$0x5] =	stream.indirect.gather [hbm4b:s5+s22], $0x1, s2, s22, $0xb8;
	[tilespmem:$0x12200] =	vst v63  }
0x11c: {  	s12 =	simm.s32 $0x1C00;
	s6 =	rddreg [dreg:$0x13]  }
0x11d: {  	[tilespmem:s12], [sflag:$0x5] =	stream.indirect.gather [hbm4b:s6+s22], $0x1, s2, s22, $0xb8;
	[tilespmem:$0x12200] =	vst v63  }
0x11e: {  	s11 =	simm.s32 $0x1E00;
	s5 =	rddreg [dreg:$0x14]  }
0x11f: {  	[tilespmem:s11], [sflag:$0x5] =	stream.indirect.gather [hbm4b:s5+s22], $0x1, s2, s22, $0xb8;
	[tilespmem:$0x12200] =	vst v63  }
0x120: {  	s9 =	simm.s32 $0x2000;
	s6 =	rddreg [dreg:$0x15]  }
0x121: {  	[tilespmem:s9], [sflag:$0x5] =	stream.indirect.gather [hbm4b:s6+s22], $0x1, s2, s22, $0xb8;
	[tilespmem:$0x12200] =	vst v63  }
0x122: {  	_ =	swait.ge [sflag:s1], $0x4000  }
0x123: {  	[sflag:s1] =	ssyncset.done $0x0  }
0x124: {  	s5 =	rddreg [dreg:$0x16];
	[sflag:s1] =	ssyncadd.s32 $0xFFFFC000  }
0x125: {  	[hbm4b:s5+s2] =	stream.linear.scatter [tilespmem:s31], [sflag:$0x6], $0x4000, $0x38;
	[tilespmem:$0x12200] =	vst v63  }
0x126: {  	s31 =	simm.s32 $0x2  }
0x127: {  	_ =	swait.ge [sflag:s31], $0x4000  }
0x128: {  	[sflag:s31] =	ssyncset.done $0x0  }
0x129: {  	s28 =	simm.s32 $0x6200;
	s5 =	rddreg [dreg:$0x17];
	[sflag:s31] =	ssyncadd.s32 $0xFFFFC000  }
0x12a: {  	[hbm4b:s5+s2] =	stream.linear.scatter [tilespmem:s28], [sflag:$0x6], $0x4000, $0x38;
	[tilespmem:$0x12200] =	vst v63  }
0x12b: {  	_ =	swait.ge [sflag:s30], $0x4000  }
0x12c: {  	[sflag:s30] =	ssyncset.done $0x0  }
0x12d: {  	s26 =	simm.s32 $0xA200;
	s31 =	rddreg [dreg:$0x18];
	[sflag:s30] =	ssyncadd.s32 $0xFFFFC000  }
0x12e: {  	[hbm4b:s31+s2] =	stream.linear.scatter [tilespmem:s26], [sflag:$0x6], $0x4000, $0x38;
	[tilespmem:$0x12200] =	vst v63  }
0x12f: {  	_ =	swait.ge [sflag:s29], $0x4000  }
0x130: {  	[sflag:s29] =	ssyncset.done $0x0  }
0x131: {  	s25 =	simm.s32 $0xE200;
	s31 =	rddreg [dreg:$0x19];
	[sflag:s29] =	ssyncadd.s32 $0xFFFFC000  }
0x132: {  	[hbm4b:s31+s2] =	stream.linear.scatter [tilespmem:s25], [sflag:$0x6], $0x4000, $0x38;
	[tilespmem:$0x12200] =	vst v63  }
0x133: {  	_ =	swait.ge [sflag:s7], $0x200  }
0x134: {  	[sflag:s7] =	ssyncset.done $0x0  }
0x135: {  	[sflag:s7] =	ssyncadd.s32 $0xFFFFFE00  }
0x136: {  	[hbm4b:s10+s2] =	stream.linear.scatter [tilespmem:s22], [sflag:$0x6], $0x200, $0x38;
	[tilespmem:$0x12200] =	vst v63  }
0x137: {  	_ =	swait.ge [sflag:s7], $0x200  }
0x138: {  	[sflag:s7] =	ssyncset.done $0x0  }
0x139: {  	s24 =	simm.s32 $0x400;
	s31 =	rddreg [dreg:$0x1a];
	[sflag:s7] =	ssyncadd.s32 $0xFFFFFE00  }
0x13a: {  	[hbm4b:s31+s2] =	stream.linear.scatter [tilespmem:s24], [sflag:$0x6], $0x200, $0x38;
	[tilespmem:$0x12200] =	vst v63  }
0x13b: {  	_ =	swait.ge [sflag:s7], $0x200  }
0x13c: {  	[sflag:s7] =	ssyncset.done $0x0  }
0x13d: {  	s23 =	simm.s32 $0x600;
	s31 =	rddreg [dreg:$0x1b];
	[sflag:s7] =	ssyncadd.s32 $0xFFFFFE00  }
0x13e: {  	[hbm4b:s31+s2] =	stream.linear.scatter [tilespmem:s23], [sflag:$0x6], $0x200, $0x38;
	[tilespmem:$0x12200] =	vst v63  }
0x13f: {  	_ =	swait.ge [sflag:s7], $0x200  }
0x140: {  	[sflag:s7] =	ssyncset.done $0x0  }
0x141: {  	s21 =	simm.s32 $0x800;
	s31 =	rddreg [dreg:$0x1c];
	[sflag:s7] =	ssyncadd.s32 $0xFFFFFE00  }
0x142: {  	[hbm4b:s31+s2] =	stream.linear.scatter [tilespmem:s21], [sflag:$0x6], $0x200, $0x38;
	[tilespmem:$0x12200] =	vst v63  }
0x143: {  	_ =	swait.ge [sflag:s7], $0x200  }
0x144: {  	[sflag:s7] =	ssyncset.done $0x0  }
0x145: {  	s20 =	simm.s32 $0xA00;
	s31 =	rddreg [dreg:$0x1d];
	[sflag:s7] =	ssyncadd.s32 $0xFFFFFE00  }
0x146: {  	[hbm4b:s31+s2] =	stream.linear.scatter [tilespmem:s20], [sflag:$0x6], $0x200, $0x38;
	[tilespmem:$0x12200] =	vst v63  }
0x147: {  	_ =	swait.ge [sflag:s7], $0x200  }
0x148: {  	[sflag:s7] =	ssyncset.done $0x0  }
0x149: {  	s19 =	simm.s32 $0xC00;
	s31 =	rddreg [dreg:$0x1e];
	[sflag:s7] =	ssyncadd.s32 $0xFFFFFE00  }
0x14a: {  	[hbm4b:s31+s2] =	stream.linear.scatter [tilespmem:s19], [sflag:$0x6], $0x200, $0x38;
	[tilespmem:$0x12200] =	vst v63  }
0x14b: {  	_ =	swait.ge [sflag:s7], $0x200  }
0x14c: {  	[sflag:s7] =	ssyncset.done $0x0  }
0x14d: {  	s18 =	simm.s32 $0xE00;
	s31 =	rddreg [dreg:$0x1f];
	[sflag:s7] =	ssyncadd.s32 $0xFFFFFE00  }
0x14e: {  	[hbm4b:s31+s2] =	stream.linear.scatter [tilespmem:s18], [sflag:$0x6], $0x200, $0x38;
	[tilespmem:$0x12200] =	vst v63  }
0x14f: {  	_ =	swait.ge [sflag:s7], $0x200  }
0x150: {  	s31 =	sld [smem:$0x7F3]  }
0x151: {  	[sflag:s7] =	ssyncset.done $0x0  }
0x152: {  	s17 =	simm.s32 $0x1000;
	[sflag:s7] =	ssyncadd.s32 $0xFFFFFE00  }
0x153: {  	[hbm4b:s31+s2] =	stream.linear.scatter [tilespmem:s17], [sflag:$0x6], $0x200, $0x38;
	[tilespmem:$0x12200] =	vst v63  }
0x154: {  	_ =	swait.ge [sflag:s7], $0x200  }
0x155: {  	s31 =	sld [smem:$0x7F4]  }
0x156: {  	[sflag:s7] =	ssyncset.done $0x0  }
0x157: {  	s16 =	simm.s32 $0x1200;
	[sflag:s7] =	ssyncadd.s32 $0xFFFFFE00  }
0x158: {  	[hbm4b:s31+s2] =	stream.linear.scatter [tilespmem:s16], [sflag:$0x6], $0x200, $0x38;
	[tilespmem:$0x12200] =	vst v63  }
0x159: {  	_ =	swait.ge [sflag:s7], $0x200  }
0x15a: {  	s31 =	sld [smem:$0x7F5]  }
0x15b: {  	[sflag:s7] =	ssyncset.done $0x0  }
0x15c: {  	s15 =	simm.s32 $0x1400;
	[sflag:s7] =	ssyncadd.s32 $0xFFFFFE00  }
0x15d: {  	[hbm4b:s31+s2] =	stream.linear.scatter [tilespmem:s15], [sflag:$0x6], $0x200, $0x38;
	[tilespmem:$0x12200] =	vst v63  }
0x15e: {  	_ =	swait.ge [sflag:s7], $0x200  }
0x15f: {  	s31 =	sld [smem:$0x7F6]  }
0x160: {  	[sflag:s7] =	ssyncset.done $0x0  }
0x161: {  	s14 =	simm.s32 $0x1600;
	[sflag:s7] =	ssyncadd.s32 $0xFFFFFE00  }
0x162: {  	[hbm4b:s31+s2] =	stream.linear.scatter [tilespmem:s14], [sflag:$0x6], $0x200, $0x38;
	[tilespmem:$0x12200] =	vst v63  }
0x163: {  	_ =	swait.ge [sflag:s7], $0x200  }
0x164: {  	s31 =	sld [smem:$0x7F7]  }
0x165: {  	[sflag:s7] =	ssyncset.done $0x0  }
0x166: {  	s13 =	simm.s32 $0x1800;
	[sflag:s7] =	ssyncadd.s32 $0xFFFFFE00  }
0x167: {  	[hbm4b:s31+s2] =	stream.linear.scatter [tilespmem:s13], [sflag:$0x6], $0x200, $0x38;
	[tilespmem:$0x12200] =	vst v63  }
0x168: {  	_ =	swait.ge [sflag:s7], $0x200  }
0x169: {  	s31 =	sld [smem:$0x7F8]  }
0x16a: {  	[sflag:s7] =	ssyncset.done $0x0  }
0x16b: {  	s12 =	simm.s32 $0x1A00;
	[sflag:s7] =	ssyncadd.s32 $0xFFFFFE00  }
0x16c: {  	[hbm4b:s31+s2] =	stream.linear.scatter [tilespmem:s12], [sflag:$0x6], $0x200, $0x38;
	[tilespmem:$0x12200] =	vst v63  }
0x16d: {  	_ =	swait.ge [sflag:s7], $0x200  }
0x16e: {  	s31 =	sld [smem:$0x7F9]  }
0x16f: {  	[sflag:s7] =	ssyncset.done $0x0  }
0x170: {  	s11 =	simm.s32 $0x1C00;
	[sflag:s7] =	ssyncadd.s32 $0xFFFFFE00  }
0x171: {  	[hbm4b:s31+s2] =	stream.linear.scatter [tilespmem:s11], [sflag:$0x6], $0x200, $0x38;
	[tilespmem:$0x12200] =	vst v63  }
0x172: {  	_ =	swait.ge [sflag:s7], $0x200  }
0x173: {  	s31 =	sld [smem:$0x7FA]  }
0x174: {  	[sflag:s7] =	ssyncset.done $0x0  }
0x175: {  	s9 =	simm.s32 $0x1E00;
	[sflag:s7] =	ssyncadd.s32 $0xFFFFFE00  }
0x176: {  	[hbm4b:s31+s2] =	stream.linear.scatter [tilespmem:s9], [sflag:$0x6], $0x200, $0x38;
	[tilespmem:$0x12200] =	vst v63  }
0x177: {  	_ =	swait.ge [sflag:s7], $0x200  }
0x178: {  	s31 =	sld [smem:$0x7FB]  }
0x179: {  	[sflag:s7] =	ssyncset.done $0x0  }
0x17a: {  	s6 =	simm.s32 $0x2000;
	[sflag:s7] =	ssyncadd.s32 $0xFFFFFE00  }
0x17b: {  	[hbm4b:s31+s2] =	stream.linear.scatter [tilespmem:s6], [sflag:$0x6], $0x200, $0x38;
	[tilespmem:$0x12200] =	vst v63  }
0x17c: {  	_ =	swait.ge [sflag:s3], $0x4000  }
0x17d: {  	[sflag:s3] =	ssyncset.done $0x0  }
0x17e: {  	[sflag:s3] =	ssyncadd.s32 $0xFFFFC000  }
0x17f: {  	_ =	swait.ge [sflag:s3], $0x4000  }
0x180: {  	[sflag:s3] =	ssyncset.done $0x0  }
0x181: {  	[sflag:s3] =	ssyncadd.s32 $0xFFFFC000  }
0x182: {  	_ =	swait.ge [sflag:s3], $0x4000  }
0x183: {  	[sflag:s3] =	ssyncset.done $0x0  }
0x184: {  	[sflag:s3] =	ssyncadd.s32 $0xFFFFC000  }
0x185: {  	_ =	swait.ge [sflag:s3], $0x4000  }
0x186: {  	[sflag:s3] =	ssyncset.done $0x0  }
0x187: {  	[sflag:s3] =	ssyncadd.s32 $0xFFFFC000  }
0x188: {  	_ =	swait.ge [sflag:s3], $0x200  }
0x189: {  	[sflag:s3] =	ssyncset.done $0x0  }
0x18a: {  	[sflag:s3] =	ssyncadd.s32 $0xFFFFFE00  }
0x18b: {  	_ =	swait.ge [sflag:s3], $0x200  }
0x18c: {  	[sflag:s3] =	ssyncset.done $0x0  }
0x18d: {  	[sflag:s3] =	ssyncadd.s32 $0xFFFFFE00  }
0x18e: {  	_ =	swait.ge [sflag:s3], $0x200  }
0x18f: {  	[sflag:s3] =	ssyncset.done $0x0  }
0x190: {  	[sflag:s3] =	ssyncadd.s32 $0xFFFFFE00  }
0x191: {  	_ =	swait.ge [sflag:s3], $0x200  }
0x192: {  	[sflag:s3] =	ssyncset.done $0x0  }
0x193: {  	[sflag:s3] =	ssyncadd.s32 $0xFFFFFE00  }
0x194: {  	_ =	swait.ge [sflag:s3], $0x200  }
0x195: {  	[sflag:s3] =	ssyncset.done $0x0  }
0x196: {  	[sflag:s3] =	ssyncadd.s32 $0xFFFFFE00  }
0x197: {  	_ =	swait.ge [sflag:s3], $0x200  }
0x198: {  	[sflag:s3] =	ssyncset.done $0x0  }
0x199: {  	[sflag:s3] =	ssyncadd.s32 $0xFFFFFE00  }
0x19a: {  	_ =	swait.ge [sflag:s3], $0x200  }
0x19b: {  	[sflag:s3] =	ssyncset.done $0x0  }
0x19c: {  	[sflag:s3] =	ssyncadd.s32 $0xFFFFFE00  }
0x19d: {  	_ =	swait.ge [sflag:s3], $0x200  }
0x19e: {  	[sflag:s3] =	ssyncset.done $0x0  }
0x19f: {  	[sflag:s3] =	ssyncadd.s32 $0xFFFFFE00  }
0x1a0: {  	_ =	swait.ge [sflag:s3], $0x200  }
0x1a1: {  	[sflag:s3] =	ssyncset.done $0x0  }
0x1a2: {  	[sflag:s3] =	ssyncadd.s32 $0xFFFFFE00  }
0x1a3: {  	_ =	swait.ge [sflag:s3], $0x200  }
0x1a4: {  	[sflag:s3] =	ssyncset.done $0x0  }
0x1a5: {  	[sflag:s3] =	ssyncadd.s32 $0xFFFFFE00  }
0x1a6: {  	_ =	swait.ge [sflag:s3], $0x200  }
0x1a7: {  	[sflag:s3] =	ssyncset.done $0x0  }
0x1a8: {  	[sflag:s3] =	ssyncadd.s32 $0xFFFFFE00  }
0x1a9: {  	_ =	swait.ge [sflag:s3], $0x200  }
0x1aa: {  	[sflag:s3] =	ssyncset.done $0x0  }
0x1ab: {  	[sflag:s3] =	ssyncadd.s32 $0xFFFFFE00  }
0x1ac: {  	_ =	swait.ge [sflag:s3], $0x200  }
0x1ad: {  	[sflag:s3] =	ssyncset.done $0x0  }
0x1ae: {  	[sflag:s3] =	ssyncadd.s32 $0xFFFFFE00  }
0x1af: {  	_ =	swait.ge [sflag:s3], $0x200  }
0x1b0: {  	[sflag:s3] =	ssyncset.done $0x0  }
0x1b1: {  	p1 =	sne.s32 s4, $0x1;
	[sflag:s3] =	ssyncadd.s32 $0xFFFFFE00  }
.Ltmp2:
0x1b2: {  	_ =	swait.ge [sflag:s3], $0x200;
	(pc) =	sbr.rel @p1 .LBB2_2-.Ltmp2, $4  }
0x1b3: {  	[sflag:s3] =	ssyncset.done $0x0  }
0x1b4: {  	[sflag:s3] =	ssyncadd.s32 $0xFFFFFE00  }
0x1b5: {  	_ =	swait.ge [sflag:s3], $0x200  }
0x1b6: {  	s4 =	sadd.s32 $0xFFFFFFFF, s4;
	s5 =	rddreg [dreg:$0x6];
	[sflag:s3] =	ssyncset.done $0x0  }
.LBB2_3:
0x1b7: {  	[sflag:s3] =	ssyncadd.s32 @p0 $0xFFFFFE00;
	s1 =	simm.s32 $0x7  }
0x1b8: {  	[tilespmem:s2], [sflag:$0x7] =	stream.linear.gather [hbm4b:s5+s2], $0x200, $0x38;
	[tilespmem:$0x12200] =	vst v63  }
0x1b9: {  	_ =	swait.ge [sflag:s1], $0x200  }
0x1ba: {  	[sflag:s1] =	ssyncset.done $0x0  }
0x1bb: {  	s5 =	simm.s32 $0x2200;
	[sflag:s1] =	ssyncadd.s32 $0xFFFFFE00  }
0x1bc: {  	[tilespmem:s5], [sflag:$0x1] =	stream.indirect.gather [hbm4b:s8+s0], $0x80, s2, s0, $0xb8;
	[tilespmem:$0x12200] =	vst v63  }
0x1bd: {  	s30 =	sld [smem:$0x7FC]  }
0x1be: {  	[tilespmem:s28], [sflag:$0x2] =	stream.indirect.gather [hbm4b:s8+s0], $0x80, s0, s0, $0xb8;
	[tilespmem:$0x12200] =	vst v63  }
0x1bf: {  	s4 =	sld [smem:$0x7FD]  }
0x1c0: {  	[tilespmem:s26], [sflag:$0x3] =	stream.indirect.gather [hbm4b:s8+s0], $0x80, s30, s0, $0xb8;
	[tilespmem:$0x12200] =	vst v63  }
0x1c1: {  	_ = 	snop  }
0x1c2: {  	[tilespmem:s25], [sflag:$0x4] =	stream.indirect.gather [hbm4b:s8+s0], $0x80, s4, s0, $0xb8;
	[tilespmem:$0x12200] =	vst v63  }
0x1c3: {  	s31 =	rddreg [dreg:$0x5]  }
0x1c4: {  	[tilespmem:s22], [sflag:$0x5] =	stream.indirect.gather [hbm4b:s31+s22], $0x1, s2, s22, $0xb8;
	[tilespmem:$0x12200] =	vst v63  }
0x1c5: {  	s4 =	rddreg [dreg:$0x7]  }
0x1c6: {  	[tilespmem:s24], [sflag:$0x5] =	stream.indirect.gather [hbm4b:s4+s22], $0x1, s2, s22, $0xb8;
	[tilespmem:$0x12200] =	vst v63  }
0x1c7: {  	s8 =	rddreg [dreg:$0x8]  }
0x1c8: {  	[tilespmem:s23], [sflag:$0x5] =	stream.indirect.gather [hbm4b:s8+s22], $0x1, s2, s22, $0xb8;
	[tilespmem:$0x12200] =	vst v63  }
0x1c9: {  	s29 =	rddreg [dreg:$0x9]  }
0x1ca: {  	[tilespmem:s21], [sflag:$0x5] =	stream.indirect.gather [hbm4b:s29+s22], $0x1, s2, s22, $0xb8;
	[tilespmem:$0x12200] =	vst v63  }
0x1cb: {  	s30 =	rddreg [dreg:$0xa]  }
0x1cc: {  	[tilespmem:s20], [sflag:$0x5] =	stream.indirect.gather [hbm4b:s30+s22], $0x1, s2, s22, $0xb8;
	[tilespmem:$0x12200] =	vst v63  }
0x1cd: {  	s31 =	rddreg [dreg:$0xb]  }
0x1ce: {  	[tilespmem:s19], [sflag:$0x5] =	stream.indirect.gather [hbm4b:s31+s22], $0x1, s2, s22, $0xb8;
	[tilespmem:$0x12200] =	vst v63  }
0x1cf: {  	s4 =	rddreg [dreg:$0xc]  }
0x1d0: {  	[tilespmem:s18], [sflag:$0x5] =	stream.indirect.gather [hbm4b:s4+s22], $0x1, s2, s22, $0xb8;
	[tilespmem:$0x12200] =	vst v63  }
0x1d1: {  	s8 =	rddreg [dreg:$0xd]  }
0x1d2: {  	[tilespmem:s17], [sflag:$0x5] =	stream.indirect.gather [hbm4b:s8+s22], $0x1, s2, s22, $0xb8;
	[tilespmem:$0x12200] =	vst v63  }
0x1d3: {  	s29 =	rddreg [dreg:$0xe]  }
0x1d4: {  	[tilespmem:s16], [sflag:$0x5] =	stream.indirect.gather [hbm4b:s29+s22], $0x1, s2, s22, $0xb8;
	[tilespmem:$0x12200] =	vst v63  }
0x1d5: {  	s30 =	rddreg [dreg:$0xf]  }
0x1d6: {  	[tilespmem:s15], [sflag:$0x5] =	stream.indirect.gather [hbm4b:s30+s22], $0x1, s2, s22, $0xb8;
	[tilespmem:$0x12200] =	vst v63  }
0x1d7: {  	s31 =	rddreg [dreg:$0x10]  }
0x1d8: {  	[tilespmem:s14], [sflag:$0x5] =	stream.indirect.gather [hbm4b:s31+s22], $0x1, s2, s22, $0xb8;
	[tilespmem:$0x12200] =	vst v63  }
0x1d9: {  	s4 =	rddreg [dreg:$0x11]  }
0x1da: {  	[tilespmem:s13], [sflag:$0x5] =	stream.indirect.gather [hbm4b:s4+s22], $0x1, s2, s22, $0xb8;
	[tilespmem:$0x12200] =	vst v63  }
0x1db: {  	s8 =	rddreg [dreg:$0x12]  }
0x1dc: {  	[tilespmem:s12], [sflag:$0x5] =	stream.indirect.gather [hbm4b:s8+s22], $0x1, s2, s22, $0xb8;
	[tilespmem:$0x12200] =	vst v63  }
0x1dd: {  	s29 =	rddreg [dreg:$0x13]  }
0x1de: {  	[tilespmem:s11], [sflag:$0x5] =	stream.indirect.gather [hbm4b:s29+s22], $0x1, s2, s22, $0xb8;
	[tilespmem:$0x12200] =	vst v63  }
0x1df: {  	s30 =	rddreg [dreg:$0x14]  }
0x1e0: {  	[tilespmem:s9], [sflag:$0x5] =	stream.indirect.gather [hbm4b:s30+s22], $0x1, s2, s22, $0xb8;
	[tilespmem:$0x12200] =	vst v63  }
0x1e1: {  	s0 =	simm.s32 $0x1;
	s31 =	rddreg [dreg:$0x15]  }
0x1e2: {  	[tilespmem:s6], [sflag:$0x5] =	stream.indirect.gather [hbm4b:s31+s22], $0x1, s2, s22, $0xb8;
	[tilespmem:$0x12200] =	vst v63  }
0x1e3: {  	_ =	swait.ge [sflag:s0], $0x4000  }
0x1e4: {  	[sflag:s0] =	ssyncset.done $0x0  }
0x1e5: {  	s4 =	rddreg [dreg:$0x16];
	[sflag:s0] =	ssyncadd.s32 $0xFFFFC000  }
0x1e6: {  	[hbm4b:s4+s2] =	stream.linear.scatter [tilespmem:s5], [sflag:$0x6], $0x4000, $0x38;
	[tilespmem:$0x12200] =	vst v63  }
0x1e7: {  	s5 =	simm.s32 $0x2  }
0x1e8: {  	_ =	swait.ge [sflag:s5], $0x4000  }
0x1e9: {  	[sflag:s5] =	ssyncset.done $0x0  }
0x1ea: {  	s8 =	rddreg [dreg:$0x17];
	[sflag:s5] =	ssyncadd.s32 $0xFFFFC000  }
0x1eb: {  	[hbm4b:s8+s2] =	stream.linear.scatter [tilespmem:s28], [sflag:$0x6], $0x4000, $0x38;
	[tilespmem:$0x12200] =	vst v63  }
0x1ec: {  	s28 =	simm.s32 $0x3  }
0x1ed: {  	_ =	swait.ge [sflag:s28], $0x4000  }
0x1ee: {  	[sflag:s28] =	ssyncset.done $0x0  }
0x1ef: {  	s30 =	simm.s32 $0x4;
	s29 =	rddreg [dreg:$0x18];
	[sflag:s28] =	ssyncadd.s32 $0xFFFFC000  }
0x1f0: {  	[hbm4b:s29+s2] =	stream.linear.scatter [tilespmem:s26], [sflag:$0x6], $0x4000, $0x38;
	[tilespmem:$0x12200] =	vst v63  }
0x1f1: {  	_ =	swait.ge [sflag:s30], $0x4000  }
0x1f2: {  	[sflag:s30] =	ssyncset.done $0x0  }
0x1f3: {  	s31 =	rddreg [dreg:$0x19];
	[sflag:s30] =	ssyncadd.s32 $0xFFFFC000  }
0x1f4: {  	[hbm4b:s31+s2] =	stream.linear.scatter [tilespmem:s25], [sflag:$0x6], $0x4000, $0x38;
	[tilespmem:$0x12200] =	vst v63  }
0x1f5: {  	_ =	swait.ge [sflag:s7], $0x200  }
0x1f6: {  	[sflag:s7] =	ssyncset.done $0x0  }
0x1f7: {  	[sflag:s7] =	ssyncadd.s32 $0xFFFFFE00  }
0x1f8: {  	[hbm4b:s10+s2] =	stream.linear.scatter [tilespmem:s22], [sflag:$0x6], $0x200, $0x38;
	[tilespmem:$0x12200] =	vst v63  }
0x1f9: {  	_ =	swait.ge [sflag:s7], $0x200  }
0x1fa: {  	[sflag:s7] =	ssyncset.done $0x0  }
0x1fb: {  	s1 =	rddreg [dreg:$0x1a];
	[sflag:s7] =	ssyncadd.s32 $0xFFFFFE00  }
0x1fc: {  	[hbm4b:s1+s2] =	stream.linear.scatter [tilespmem:s24], [sflag:$0x6], $0x200, $0x38;
	[tilespmem:$0x12200] =	vst v63  }
0x1fd: {  	_ =	swait.ge [sflag:s7], $0x200  }
0x1fe: {  	[sflag:s7] =	ssyncset.done $0x0  }
0x1ff: {  	s4 =	rddreg [dreg:$0x1b];
	[sflag:s7] =	ssyncadd.s32 $0xFFFFFE00  }
0x200: {  	[hbm4b:s4+s2] =	stream.linear.scatter [tilespmem:s23], [sflag:$0x6], $0x200, $0x38;
	[tilespmem:$0x12200] =	vst v63  }
0x201: {  	_ =	swait.ge [sflag:s7], $0x200  }
0x202: {  	[sflag:s7] =	ssyncset.done $0x0  }
0x203: {  	s5 =	rddreg [dreg:$0x1c];
	[sflag:s7] =	ssyncadd.s32 $0xFFFFFE00  }
0x204: {  	[hbm4b:s5+s2] =	stream.linear.scatter [tilespmem:s21], [sflag:$0x6], $0x200, $0x38;
	[tilespmem:$0x12200] =	vst v63  }
0x205: {  	_ =	swait.ge [sflag:s7], $0x200  }
0x206: {  	[sflag:s7] =	ssyncset.done $0x0  }
0x207: {  	s8 =	rddreg [dreg:$0x1d];
	[sflag:s7] =	ssyncadd.s32 $0xFFFFFE00  }
0x208: {  	[hbm4b:s8+s2] =	stream.linear.scatter [tilespmem:s20], [sflag:$0x6], $0x200, $0x38;
	[tilespmem:$0x12200] =	vst v63  }
0x209: {  	_ =	swait.ge [sflag:s7], $0x200  }
0x20a: {  	[sflag:s7] =	ssyncset.done $0x0  }
0x20b: {  	s10 =	rddreg [dreg:$0x1e];
	[sflag:s7] =	ssyncadd.s32 $0xFFFFFE00  }
0x20c: {  	[hbm4b:s10+s2] =	stream.linear.scatter [tilespmem:s19], [sflag:$0x6], $0x200, $0x38;
	[tilespmem:$0x12200] =	vst v63  }
0x20d: {  	_ =	swait.ge [sflag:s7], $0x200  }
0x20e: {  	[sflag:s7] =	ssyncset.done $0x0  }
0x20f: {  	s20 =	rddreg [dreg:$0x1f];
	[sflag:s7] =	ssyncadd.s32 $0xFFFFFE00  }
0x210: {  	[hbm4b:s20+s2] =	stream.linear.scatter [tilespmem:s18], [sflag:$0x6], $0x200, $0x38;
	[tilespmem:$0x12200] =	vst v63  }
0x211: {  	_ =	swait.ge [sflag:s7], $0x200  }
0x212: {  	s21 =	sld [smem:$0x7F3]  }
0x213: {  	[sflag:s7] =	ssyncset.done $0x0  }
0x214: {  	[sflag:s7] =	ssyncadd.s32 $0xFFFFFE00  }
0x215: {  	[hbm4b:s21+s2] =	stream.linear.scatter [tilespmem:s17], [sflag:$0x6], $0x200, $0x38;
	[tilespmem:$0x12200] =	vst v63  }
0x216: {  	_ =	swait.ge [sflag:s7], $0x200  }
0x217: {  	s22 =	sld [smem:$0x7F4]  }
0x218: {  	[sflag:s7] =	ssyncset.done $0x0  }
0x219: {  	[sflag:s7] =	ssyncadd.s32 $0xFFFFFE00  }
0x21a: {  	[hbm4b:s22+s2] =	stream.linear.scatter [tilespmem:s16], [sflag:$0x6], $0x200, $0x38;
	[tilespmem:$0x12200] =	vst v63  }
0x21b: {  	_ =	swait.ge [sflag:s7], $0x200  }
0x21c: {  	s23 =	sld [smem:$0x7F5]  }
0x21d: {  	[sflag:s7] =	ssyncset.done $0x0  }
0x21e: {  	[sflag:s7] =	ssyncadd.s32 $0xFFFFFE00  }
0x21f: {  	[hbm4b:s23+s2] =	stream.linear.scatter [tilespmem:s15], [sflag:$0x6], $0x200, $0x38;
	[tilespmem:$0x12200] =	vst v63  }
0x220: {  	_ =	swait.ge [sflag:s7], $0x200  }
0x221: {  	s24 =	sld [smem:$0x7F6]  }
0x222: {  	[sflag:s7] =	ssyncset.done $0x0  }
0x223: {  	[sflag:s7] =	ssyncadd.s32 $0xFFFFFE00  }
0x224: {  	[hbm4b:s24+s2] =	stream.linear.scatter [tilespmem:s14], [sflag:$0x6], $0x200, $0x38;
	[tilespmem:$0x12200] =	vst v63  }
0x225: {  	_ =	swait.ge [sflag:s7], $0x200  }
0x226: {  	s25 =	sld [smem:$0x7F7]  }
0x227: {  	[sflag:s7] =	ssyncset.done $0x0  }
0x228: {  	[sflag:s7] =	ssyncadd.s32 $0xFFFFFE00  }
0x229: {  	[hbm4b:s25+s2] =	stream.linear.scatter [tilespmem:s13], [sflag:$0x6], $0x200, $0x38;
	[tilespmem:$0x12200] =	vst v63  }
0x22a: {  	_ =	swait.ge [sflag:s7], $0x200  }
0x22b: {  	s26 =	sld [smem:$0x7F8]  }
0x22c: {  	[sflag:s7] =	ssyncset.done $0x0  }
0x22d: {  	[sflag:s7] =	ssyncadd.s32 $0xFFFFFE00  }
0x22e: {  	[hbm4b:s26+s2] =	stream.linear.scatter [tilespmem:s12], [sflag:$0x6], $0x200, $0x38;
	[tilespmem:$0x12200] =	vst v63  }
0x22f: {  	_ =	swait.ge [sflag:s7], $0x200  }
0x230: {  	s28 =	sld [smem:$0x7F9]  }
0x231: {  	[sflag:s7] =	ssyncset.done $0x0  }
0x232: {  	[sflag:s7] =	ssyncadd.s32 $0xFFFFFE00  }
0x233: {  	[hbm4b:s28+s2] =	stream.linear.scatter [tilespmem:s11], [sflag:$0x6], $0x200, $0x38;
	[tilespmem:$0x12200] =	vst v63  }
0x234: {  	_ =	swait.ge [sflag:s7], $0x200  }
0x235: {  	s29 =	sld [smem:$0x7FA]  }
0x236: {  	[sflag:s7] =	ssyncset.done $0x0  }
0x237: {  	[sflag:s7] =	ssyncadd.s32 $0xFFFFFE00  }
0x238: {  	[hbm4b:s29+s2] =	stream.linear.scatter [tilespmem:s9], [sflag:$0x6], $0x200, $0x38;
	[tilespmem:$0x12200] =	vst v63  }
0x239: {  	_ =	swait.ge [sflag:s7], $0x200  }
0x23a: {  	s30 =	sld [smem:$0x7FB]  }
0x23b: {  	[sflag:s7] =	ssyncset.done $0x0  }
0x23c: {  	[sflag:s7] =	ssyncadd.s32 $0xFFFFFE00  }
0x23d: {  	[hbm4b:s30+s2] =	stream.linear.scatter [tilespmem:s6], [sflag:$0x6], $0x200, $0x38;
	[tilespmem:$0x12200] =	vst v63  }
0x23e: {  	_ =	swait.ge [sflag:s3], $0x4000  }
0x23f: {  	[sflag:s3] =	ssyncset.done $0x0  }
0x240: {  	[sflag:s3] =	ssyncadd.s32 $0xFFFFC000  }
0x241: {  	_ =	swait.ge [sflag:s3], $0x4000  }
0x242: {  	[sflag:s3] =	ssyncset.done $0x0  }
0x243: {  	[sflag:s3] =	ssyncadd.s32 $0xFFFFC000  }
0x244: {  	_ =	swait.ge [sflag:s3], $0x4000  }
0x245: {  	[sflag:s3] =	ssyncset.done $0x0  }
0x246: {  	[sflag:s3] =	ssyncadd.s32 $0xFFFFC000  }
0x247: {  	_ =	swait.ge [sflag:s3], $0x4000  }
0x248: {  	[sflag:s3] =	ssyncset.done $0x0  }
0x249: {  	[sflag:s3] =	ssyncadd.s32 $0xFFFFC000  }
0x24a: {  	_ =	swait.ge [sflag:s3], $0x200  }
0x24b: {  	[sflag:s3] =	ssyncset.done $0x0  }
0x24c: {  	[sflag:s3] =	ssyncadd.s32 $0xFFFFFE00  }
0x24d: {  	_ =	swait.ge [sflag:s3], $0x200  }
0x24e: {  	[sflag:s3] =	ssyncset.done $0x0  }
0x24f: {  	[sflag:s3] =	ssyncadd.s32 $0xFFFFFE00  }
0x250: {  	_ =	swait.ge [sflag:s3], $0x200  }
0x251: {  	[sflag:s3] =	ssyncset.done $0x0  }
0x252: {  	[sflag:s3] =	ssyncadd.s32 $0xFFFFFE00  }
0x253: {  	_ =	swait.ge [sflag:s3], $0x200  }
0x254: {  	[sflag:s3] =	ssyncset.done $0x0  }
0x255: {  	[sflag:s3] =	ssyncadd.s32 $0xFFFFFE00  }
0x256: {  	_ =	swait.ge [sflag:s3], $0x200  }
0x257: {  	[sflag:s3] =	ssyncset.done $0x0  }
0x258: {  	[sflag:s3] =	ssyncadd.s32 $0xFFFFFE00  }
0x259: {  	_ =	swait.ge [sflag:s3], $0x200  }
0x25a: {  	[sflag:s3] =	ssyncset.done $0x0  }
0x25b: {  	[sflag:s3] =	ssyncadd.s32 $0xFFFFFE00  }
0x25c: {  	_ =	swait.ge [sflag:s3], $0x200  }
0x25d: {  	[sflag:s3] =	ssyncset.done $0x0  }
0x25e: {  	[sflag:s3] =	ssyncadd.s32 $0xFFFFFE00  }
0x25f: {  	_ =	swait.ge [sflag:s3], $0x200  }
0x260: {  	[sflag:s3] =	ssyncset.done $0x0  }
0x261: {  	[sflag:s3] =	ssyncadd.s32 $0xFFFFFE00  }
0x262: {  	_ =	swait.ge [sflag:s3], $0x200  }
0x263: {  	[sflag:s3] =	ssyncset.done $0x0  }
0x264: {  	[sflag:s3] =	ssyncadd.s32 $0xFFFFFE00  }
0x265: {  	_ =	swait.ge [sflag:s3], $0x200  }
0x266: {  	[sflag:s3] =	ssyncset.done $0x0  }
0x267: {  	[sflag:s3] =	ssyncadd.s32 $0xFFFFFE00  }
0x268: {  	_ =	swait.ge [sflag:s3], $0x200  }
0x269: {  	[sflag:s3] =	ssyncset.done $0x0  }
0x26a: {  	[sflag:s3] =	ssyncadd.s32 $0xFFFFFE00  }
0x26b: {  	_ =	swait.ge [sflag:s3], $0x200  }
0x26c: {  	[sflag:s3] =	ssyncset.done $0x0  }
0x26d: {  	[sflag:s3] =	ssyncadd.s32 $0xFFFFFE00  }
0x26e: {  	_ =	swait.ge [sflag:s3], $0x200  }
0x26f: {  	[sflag:s3] =	ssyncset.done $0x0  }
0x270: {  	[sflag:s3] =	ssyncadd.s32 $0xFFFFFE00  }
0x271: {  	_ =	swait.ge [sflag:s3], $0x200  }
0x272: {  	[sflag:s3] =	ssyncset.done $0x0  }
0x273: {  	[sflag:s3] =	ssyncadd.s32 $0xFFFFFE00  }
0x274: {  	_ =	swait.ge [sflag:s3], $0x200  }
0x275: {  	[sflag:s3] =	ssyncset.done $0x0  }
0x276: {  	[sflag:s3] =	ssyncadd.s32 $0xFFFFFE00  }
0x277: {  	_ =	swait.ge [sflag:s3], $0x200  }
0x278: {  	[sflag:s3] =	ssyncset.done $0x0  }
0x279: {  	[sflag:s3] =	ssyncadd.s32 $0xFFFFFE00  }
0x27a: {  	_ =	sfence.sel $0x180000  }
0x27b: {  	[bflag:$0x0] =	sbarrier.arrive $0xFFFF  }
0x27c: {  	_ =	strace $0x90000047  }
0x27d: {  	s31 =	stileid.u32;
	[bflag:$0x2] =	sbarrier.arrive $0xFFFF  }
0x27e: {  	p0 =	sne.s32 s31, $0x0;
	s0 =	rddreg [dreg:$0x4]  }
0x27f: {  	s0 =	sadd.s32 @!p0 $0x100000, s0  }
0x280: {  	[sflag:s0] =	ssyncadd.tile.s32 @!p0 $0x1;
	_ =	shalt  }
.Lfunc_end2:
_tile_overlayer_lowered:
.L_overlay_start_2:
0x281: {  	(tag) =	ssettag $0x2  }
0x282: {  	s0 =	rddreg [dreg:$0x0];
	s2 =	stileid.u32  }
0x283: {  	s1 =	rddreg [dreg:$0x1];
	p0 =	sne.s32 s2, $0x0  }
0x284: {  	s3 =	rddreg [dreg:$0x2];
	[bflag:$0x3] =	sbarrier.arrive $0xFFFF;
	s2 =	simm.s32 @!p0 $0x1C07  }
0x285: {  	[timem:s3], [sflag:s2] =	dma.local @!p0 [hbm:s0], s1  }
0x286: {  	s0 =	simm.s32 @!p0 $0x7  }
0x287: {  	_ =	swait.ge @!p0 [sflag:s0], s1  }
0x288: {  	s1 =	ssub.s32 @!p0 $0x0, s1;
	[sflag:s0] =	ssyncset.done @!p0 $0x0  }
0x289: {  	[sflag:s0] =	ssyncadd.s32 @!p0 s1  }
0x28a: {  	[bflag:$0x3] =	sbarrier.arrive $0xFFFF  }
0x28b: {  	_ =	shalt  }

</sc_bundles>
